<compile_context>
chip_gen: v7x
topology: tpu7x:2x2x1
jax: 0.10.2.dev20260603
libtpu: 0.0.44.dev20260713+nightly
codegen_flags: <defaults>
</compile_context>

<pallas_src>
import math

import jax
import jax.numpy as jnp
from jax import lax
from jax.experimental import pallas as pl
from jax.experimental.pallas import tpu as pltpu
from jax.experimental.pallas import tpu_sc as plsc

N = 10000
E = 160000
HID = 256
EDGE = 128
H = 8
D = HID // H

NC = 2
NS = 16
NW = NC * NS

F32 = jnp.float32
BF16 = jnp.bfloat16


def _ln(x, g, b):
    m = jnp.mean(x, axis=-1, keepdims=True)
    xm = x - m
    v = jnp.mean(xm * xm, axis=-1, keepdims=True)
    return xm * lax.rsqrt(v + 1e-5) * g + b



BN = 400
HH = HID // 2

_M16 = -65536


def _pack_bf16_pairs(t):
    e = lax.bitcast_convert_type(t[:, :HH], jnp.int32)
    o = lax.bitcast_convert_type(t[:, HH:], jnp.int32)
    e16 = lax.shift_right_logical(e + 0x8000, 16)
    o16 = (o + 0x8000) & _M16
    return o16 | e16


def _unpack_bf16_pairs(p):
    e = lax.bitcast_convert_type(lax.shift_left(p, 16), F32)
    o = lax.bitcast_convert_type(p & _M16, F32)
    return e, o


def _bdot(a, b):
    return jnp.dot(a.astype(BF16), b.astype(BF16), preferred_element_type=F32)


def _node_body(x_ref, g_ref, b_ref, wq_ref, wk_ref, wv_ref, q_ref, kv_ref):
    h = _ln(x_ref[...], g_ref[...], b_ref[...])
    q_ref[...] = _pack_bf16_pairs(_bdot(h, wq_ref[...]))
    kv_ref[:, :HH] = _pack_bf16_pairs(_bdot(h, wk_ref[...]))
    kv_ref[:, HH:] = _pack_bf16_pairs(_bdot(h, wv_ref[...]))


def _tc_nodes(x, n1_g, n1_b, WqT, WkT, WvT):
    row = pl.BlockSpec((BN, HID), lambda i: (i, 0))
    hrow = pl.BlockSpec((BN, HH), lambda i: (i, 0))
    full = pl.BlockSpec((HID, HID), lambda i: (0, 0))
    vec = pl.BlockSpec((1, HID), lambda i: (0, 0))
    return pl.pallas_call(
        _node_body,
        grid=(N // BN,),
        in_specs=[row, vec, vec, full, full, full],
        out_specs=[hrow, row],
        out_shape=[jax.ShapeDtypeStruct((N, HH), jnp.int32),
                   jax.ShapeDtypeStruct((N, HID), jnp.int32)],
    )(x, n1_g.reshape(1, HID), n1_b.reshape(1, HID), WqT, WkT, WvT)



EPW = E // NW
GB = 40
GCHUNKS = EPW // GB


def _sc_gather_body(q_hbm, kv_hbm, dst_hbm, src_hbm,
                    qg_hbm, kvg_hbm, dsti_v, srci_v, qa_v, qb_v, kva_v, kvb_v,
                    semqa, semqb, semkva, semkvb, semwqa, semwqb, semwkva, semwkvb):
    c = lax.axis_index("c")
    s = lax.axis_index("s")
    base0 = (s * NC + c) * EPW
    pltpu.sync_copy(dst_hbm.at[pl.ds(base0, EPW)], dsti_v)
    pltpu.sync_copy(src_hbm.at[pl.ds(base0, EPW)], srci_v)

    def start(cn, q_v, kv_v, semq, semkv, semwq, semwkv):
        @pl.when(cn >= 2)
        def _():
            pltpu.make_async_copy(q_v, qg_hbm.at[pl.ds(base0, GB)], semwq).wait()
            pltpu.make_async_copy(kv_v, kvg_hbm.at[pl.ds(base0, GB)], semwkv).wait()

        off = cn * GB
        pltpu.async_copy(q_hbm.at[dsti_v.at[pl.ds(off, GB)]], q_v, semq)
        pltpu.async_copy(kv_hbm.at[srci_v.at[pl.ds(off, GB)]], kv_v, semkv)

    def finish(cn, q_v, kv_v, semq, semkv, semwq, semwkv):
        base = base0 + cn * GB
        pltpu.make_async_copy(q_hbm.at[dsti_v.at[pl.ds(0, GB)]], q_v, semq).wait()
        pltpu.async_copy(q_v, qg_hbm.at[pl.ds(base, GB)], semwq)
        pltpu.make_async_copy(kv_hbm.at[srci_v.at[pl.ds(0, GB)]], kv_v, semkv).wait()
        pltpu.async_copy(kv_v, kvg_hbm.at[pl.ds(base, GB)], semwkv)

    A = (qa_v, kva_v, semqa, semkva, semwqa, semwkva)
    B = (qb_v, kvb_v, semqb, semkvb, semwqb, semwkvb)
    start(0, *A)

    def pair(j, carry):
        cA = 2 * j
        start(cA + 1, *B)
        finish(cA, *A)
        start(cA + 2, *A)
        finish(cA + 1, *B)
        return carry

    lax.fori_loop(0, GCHUNKS // 2, pair, 0)
    finish(GCHUNKS - 1, *A)
    pltpu.make_async_copy(qa_v, qg_hbm.at[pl.ds(base0, GB)], semwqa).wait()
    pltpu.make_async_copy(kva_v, kvg_hbm.at[pl.ds(base0, GB)], semwkva).wait()
    pltpu.make_async_copy(qb_v, qg_hbm.at[pl.ds(base0, GB)], semwqb).wait()
    pltpu.make_async_copy(kvb_v, kvg_hbm.at[pl.ds(base0, GB)], semwkvb).wait()


def _sc_gather(Q, KV, dst, src):
    f = pl.kernel(
        _sc_gather_body,
        out_type=[jax.ShapeDtypeStruct((E, HH), jnp.int32),
                  jax.ShapeDtypeStruct((E, HID), jnp.int32)],
        mesh=plsc.VectorSubcoreMesh(core_axis_name="c", subcore_axis_name="s"),
        scratch_types=[
            pltpu.VMEM((EPW,), jnp.int32),
            pltpu.VMEM((EPW,), jnp.int32),
            pltpu.VMEM((GB, HH), jnp.int32),
            pltpu.VMEM((GB, HH), jnp.int32),
            pltpu.VMEM((GB, HID), jnp.int32),
            pltpu.VMEM((GB, HID), jnp.int32),
        ] + [pltpu.SemaphoreType.DMA] * 8,
    )
    return f(Q, KV, dst, src)



BE = 4000


def _edge_body(ea_ref, qg_ref, kvg_ref, w1_ref, b1_ref, w2_ref, b2_ref,
               msg_ref):
    t = _bdot(ea_ref[...], w1_ref[...]) + b1_ref[...]
    t = t * jax.nn.sigmoid(t)
    ew = _bdot(t, w2_ref[...]) + b2_ref[...]
    ew_e, ew_o = ew[:, :HH], ew[:, HH:]
    q_e, q_o = _unpack_bf16_pairs(qg_ref[...])
    k_e, k_o = _unpack_bf16_pairs(kvg_ref[:, :HH])
    v_e, v_o = _unpack_bf16_pairs(kvg_ref[:, HH:])
    s = q_e * k_e * ew_e + q_o * k_o * ew_o
    lane = lax.broadcasted_iota(jnp.int32, (HH, H), 0)
    head = lax.broadcasted_iota(jnp.int32, (HH, H), 1)
    G = (lane // (D // 2) == head).astype(F32)
    hs = jnp.dot(s, G, preferred_element_type=F32) * (1.0 / math.sqrt(D))
    attn = jax.nn.sigmoid(hs)
    alane = jnp.dot(attn, G.T, preferred_element_type=F32)
    msg_ref[:, :HH] = alane * v_e * ew_e
    msg_ref[:, HH:] = alane * v_o * ew_o


def _tc_edges(edge_attr, qg, kvg, w1T, b1, w2Tp, b2p):
    erow = pl.BlockSpec((BE, EDGE), lambda i: (i, 0))
    irow = pl.BlockSpec((BE, HH), lambda i: (i, 0))
    hrow = pl.BlockSpec((BE, HID), lambda i: (i, 0))
    w1s = pl.BlockSpec((EDGE, HID), lambda i: (0, 0))
    w2s = pl.BlockSpec((HID, HID), lambda i: (0, 0))
    vec = pl.BlockSpec((1, HID), lambda i: (0, 0))
    return pl.pallas_call(
        _edge_body,
        grid=(E // BE,),
        in_specs=[erow, irow, hrow, w1s, vec, w2s, vec],
        out_specs=hrow,
        out_shape=jax.ShapeDtypeStruct((E, HID), F32),
    )(edge_attr, qg, kvg, w1T, b1.reshape(1, HID), w2Tp, b2p.reshape(1, HID))



EPS = E // NS
SB = 80
SCHUNKS = EPS // SB
NPAD = 10240
NPS = NPAD // NS
CW = HID // NC


def _sc_scatter_body(msg_hbm, dst_hbm, zeros_hbm, agg_hbm, idxa_v, idxb_v,
                     bufa_v, bufb_v, shared, semia, semib, semma, semmb):
    c = lax.axis_index("c")
    s = lax.axis_index("s")
    pltpu.sync_copy(zeros_hbm.at[pl.ds(s * NPS, NPS)], shared.at[pl.ds(s * NPS, NPS)])
    plsc.subcore_barrier()
    base0 = s * EPS
    col = c * CW

    def start(cn, idx_v, buf_v, semi, semm):
        pltpu.async_copy(dst_hbm.at[pl.ds(base0 + cn * SB, SB)], idx_v, semi)
        pltpu.async_copy(msg_hbm.at[pl.ds(base0 + cn * SB, SB), pl.ds(col, CW)],
                         buf_v, semm)

    def finish(cn, idx_v, buf_v, semi, semm):
        pltpu.make_async_copy(dst_hbm.at[pl.ds(base0 + cn * SB, SB)], idx_v, semi).wait()
        pltpu.make_async_copy(msg_hbm.at[pl.ds(base0 + cn * SB, SB), pl.ds(col, CW)],
                              buf_v, semm).wait()
        pltpu.sync_copy(buf_v, shared.at[idx_v], add=True)

    start(0, idxa_v, bufa_v, semia, semma)

    def pair(j, carry):
        cA = 2 * j
        start(cA + 1, idxb_v, bufb_v, semib, semmb)
        finish(cA, idxa_v, bufa_v, semia, semma)
        start(cA + 2, idxa_v, bufa_v, semia, semma)
        finish(cA + 1, idxb_v, bufb_v, semib, semmb)
        return carry

    lax.fori_loop(0, SCHUNKS // 2, pair, 0)
    finish(SCHUNKS - 1, idxa_v, bufa_v, semia, semma)
    plsc.subcore_barrier()
    pltpu.sync_copy(shared.at[pl.ds(s * NPS, NPS)],
                    agg_hbm.at[pl.ds(s * NPS, NPS), pl.ds(col, CW)])


def _sc_scatter(msg, dst):
    zeros = jnp.zeros((NPAD, CW), F32)
    f = pl.kernel(
        _sc_scatter_body,
        out_type=jax.ShapeDtypeStruct((NPAD, HID), F32),
        mesh=plsc.VectorSubcoreMesh(core_axis_name="c", subcore_axis_name="s"),
        scratch_types=[
            pltpu.VMEM((SB,), jnp.int32),
            pltpu.VMEM((SB,), jnp.int32),
            pltpu.VMEM((SB, CW), F32),
            pltpu.VMEM((SB, CW), F32),
            pltpu.VMEM_SHARED((NPAD, CW), F32),
            pltpu.SemaphoreType.DMA,
            pltpu.SemaphoreType.DMA,
            pltpu.SemaphoreType.DMA,
            pltpu.SemaphoreType.DMA,
        ],
    )
    return f(msg, dst, zeros)[:N]




def _final_body(x_ref, agg_ref, ow_ref, ob_ref, g2_ref, b2_ref,
                fw1_ref, fb1_ref, fw2_ref, fb2_ref, out_ref):
    y = x_ref[...] + _bdot(agg_ref[...], ow_ref[...]) + ob_ref[...]
    h2 = _ln(y, g2_ref[...], b2_ref[...])
    ff = _bdot(h2, fw1_ref[...]) + fb1_ref[...]
    ff = 0.5 * ff * (1.0 + lax.erf(ff * (1.0 / math.sqrt(2.0))))
    ff = _bdot(ff, fw2_ref[...]) + fb2_ref[...]
    out_ref[...] = y + ff


def _tc_final(x, agg, out_wT, out_b, n2_g, n2_b, ff_w1T, ff_b1, ff_w2T, ff_b2):
    row = pl.BlockSpec((BN, HID), lambda i: (i, 0))
    full = pl.BlockSpec((HID, HID), lambda i: (0, 0))
    vec = pl.BlockSpec((1, HID), lambda i: (0, 0))
    w1s = pl.BlockSpec((HID, 4 * HID), lambda i: (0, 0))
    v1s = pl.BlockSpec((1, 4 * HID), lambda i: (0, 0))
    w2s = pl.BlockSpec((4 * HID, HID), lambda i: (0, 0))
    return pl.pallas_call(
        _final_body,
        grid=(N // BN,),
        in_specs=[row, row, full, vec, vec, vec, w1s, v1s, w2s, vec],
        out_specs=row,
        out_shape=jax.ShapeDtypeStruct((N, HID), F32),
    )(x, agg, out_wT, out_b.reshape(1, HID), n2_g.reshape(1, HID),
      n2_b.reshape(1, HID), ff_w1T, ff_b1.reshape(1, 4 * HID), ff_w2T,
      ff_b2.reshape(1, HID))




def kernel(x, edge_index, edge_attr, Wq, Wk, Wv, ep_w1, ep_b1, ep_w2, ep_b2,
           out_w, out_b, n1_g, n1_b, n2_g, n2_b, ff_w1, ff_b1, ff_w2, ff_b2):
    src = edge_index[0]
    dst = edge_index[1]
    perm = jnp.concatenate([jnp.arange(0, HID, 2), jnp.arange(1, HID, 2)])
    Q, KV = _tc_nodes(x, n1_g, n1_b, Wq.T[:, perm], Wk.T[:, perm], Wv.T[:, perm])
    qg, kvg = _sc_gather(Q, KV, dst, src)
    msg = _tc_edges(edge_attr, qg, kvg, ep_w1.T, ep_b1,
                    ep_w2.T[:, perm], ep_b2[perm])
    agg = _sc_scatter(msg, dst)
    return _tc_final(x, agg, out_w.T[perm, :], out_b, n2_g, n2_b,
                     ff_w1.T, ff_b1, ff_w2.T, ff_b2)

# --- scband reference (transcript-rebuilt; emitter-appended) ---
"""Pipeline reference for scband-crystal-mancer-v2-65146063946416 (READ-ONLY COPY).

The authoritative reference and input builder live on the scoring server;
editing this copy changes nothing except your own understanding.
"""

import jax, jax.numpy as jnp
import numpy as np
import math

N = 10000
E = 160000
HID = 256
EDGE = 128
H = 8
D = HID // H


def _ln(x, g, b):
    m = x.mean(axis=-1, keepdims=True)
    v = ((x - m) ** 2).mean(axis=-1, keepdims=True)
    return (x - m) / jnp.sqrt(v + 1e-5) * g + b


def setup_inputs(seed: int = 0) -> dict:
    key = jax.random.key(seed)
    ks = [jax.random.fold_in(key, i) for i in range(32)]

    def _w(k, o, i):
        return jax.random.normal(k, (o, i), dtype=jnp.float32) * (1.0 / np.sqrt(i))

    inp = {}
    inp['x'] = jax.random.normal(ks[0], (N, HID), dtype=jnp.float32)
    inp['edge_index'] = jax.random.randint(ks[1], (2, E), 0, N, dtype=jnp.int32)
    inp['edge_attr'] = jax.random.normal(ks[2], (E, EDGE), dtype=jnp.float32)
    # MultiHeadInteraction parameters (torch Linear convention: W is [out, in])
    inp['Wq'] = _w(ks[3], HID, HID)
    inp['Wk'] = _w(ks[4], HID, HID)
    inp['Wv'] = _w(ks[5], HID, HID)
    inp['ep_w1'] = _w(ks[6], HID, EDGE)
    inp['ep_b1'] = jnp.zeros((HID,), dtype=jnp.float32)
    inp['ep_w2'] = _w(ks[7], HID, HID)
    inp['ep_b2'] = jnp.zeros((HID,), dtype=jnp.float32)
    inp['out_w'] = _w(ks[8], HID, HID)
    inp['out_b'] = jnp.zeros((HID,), dtype=jnp.float32)
    inp['n1_g'] = jnp.ones((HID,), dtype=jnp.float32)
    inp['n1_b'] = jnp.zeros((HID,), dtype=jnp.float32)
    inp['n2_g'] = jnp.ones((HID,), dtype=jnp.float32)
    inp['n2_b'] = jnp.zeros((HID,), dtype=jnp.float32)
    inp['ff_w1'] = _w(ks[9], 4 * HID, HID)
    inp['ff_b1'] = jnp.zeros((4 * HID,), dtype=jnp.float32)
    inp['ff_w2'] = _w(ks[10], HID, 4 * HID)
    inp['ff_b2'] = jnp.zeros((HID,), dtype=jnp.float32)
    return inp


def reference(x, edge_index, edge_attr, Wq, Wk, Wv, ep_w1, ep_b1, ep_w2, ep_b2,
              out_w, out_b, n1_g, n1_b, n2_g, n2_b, ff_w1, ff_b1, ff_w2, ff_b2):
    # MultiHeadInteraction.forward (eval mode, dropout disabled)
    h = _ln(x, n1_g, n1_b)
    src = edge_index[0]  # x_j (source / neighbor)
    dst = edge_index[1]  # x_i (target)
    x_i = jnp.take(h, dst, axis=0)
    x_j = jnp.take(h, src, axis=0)
    q = (x_i @ Wq.T).reshape(E, H, D)
    k = (x_j @ Wk.T).reshape(E, H, D)
    v = (x_j @ Wv.T).reshape(E, H, D)
    ew = jax.nn.silu(edge_attr @ ep_w1.T + ep_b1) @ ep_w2.T + ep_b2
    ew = ew.reshape(E, H, D)
    attn = jax.nn.sigmoid((q * k * ew).sum(axis=-1, keepdims=True) / math.sqrt(D))
    msg = (attn * v * ew).reshape(E, HID)
    agg = jax.ops.segment_sum(msg, dst, num_segments=N)  # aggr='add' into dst nodes
    x = x + (agg @ out_w.T + out_b)
    h2 = _ln(x, n2_g, n2_b)
    ff = jax.nn.gelu(h2 @ ff_w1.T + ff_b1, approximate=False) @ ff_w2.T + ff_b2
    x = x + ff
    return x

if __name__ == "__main__":
    import jax
    _d = setup_inputs()
    print(jax.jit(kernel)(*tuple(_d.values())))

</pallas_src>

<mosaic_0001>
#map = affine_map<(d0, d1) -> (0, 0)>
#map1 = affine_map<(d0, d1) -> (0)>
module attributes {stable_mosaic.version = 14 : i64} {
  func.func @_sc_gather_body(%arg0: i32, %arg1: i32, %arg2: memref<10000x128xi32, #tpu.memory_space<hbm>>, %arg3: memref<10000x256xi32, #tpu.memory_space<hbm>>, %arg4: memref<160000xi32, #tpu.memory_space<hbm>>, %arg5: memref<160000xi32, #tpu.memory_space<hbm>>, %arg6: memref<160000x128xi32, #tpu.memory_space<hbm>>, %arg7: memref<160000x256xi32, #tpu.memory_space<hbm>>, %arg8: memref<5000xi32, #tpu.memory_space<vmem>>, %arg9: memref<5000xi32, #tpu.memory_space<vmem>>, %arg10: memref<40x128xi32, #tpu.memory_space<vmem>>, %arg11: memref<40x128xi32, #tpu.memory_space<vmem>>, %arg12: memref<40x256xi32, #tpu.memory_space<vmem>>, %arg13: memref<40x256xi32, #tpu.memory_space<vmem>>, %arg14: memref<!tpu.dma_semaphore, #tpu.memory_space<semaphore_mem>>, %arg15: memref<!tpu.dma_semaphore, #tpu.memory_space<semaphore_mem>>, %arg16: memref<!tpu.dma_semaphore, #tpu.memory_space<semaphore_mem>>, %arg17: memref<!tpu.dma_semaphore, #tpu.memory_space<semaphore_mem>>, %arg18: memref<!tpu.dma_semaphore, #tpu.memory_space<semaphore_mem>>, %arg19: memref<!tpu.dma_semaphore, #tpu.memory_space<semaphore_mem>>, %arg20: memref<!tpu.dma_semaphore, #tpu.memory_space<semaphore_mem>>, %arg21: memref<!tpu.dma_semaphore, #tpu.memory_space<semaphore_mem>>) attributes {dimension_semantics = [#tpu.dimension_semantics<core_parallel>, #tpu.dimension_semantics<subcore_parallel>], iteration_bounds = array<i64: 2, 16>, scalar_prefetch = 0 : i64, scratch_operands = 14 : i64, tpu.core_type = #tpu.core_type<sc_vector_subcore>, window_params = [{transform_indices = #map}, {transform_indices = #map}, {transform_indices = #map1}, {transform_indices = #map1}, {transform_indices = #map}, {transform_indices = #map}]} {
    %mul3A = arith.constant 2 : i32
    %mul3A_0 = arith.muli %arg1, %mul3A : i32
    %add3A = arith.addi %mul3A_0, %arg0 : i32
    %mul3A_1 = arith.constant 5000 : i32
    %mul3A_2 = arith.muli %add3A, %mul3A_1 : i32
    "tpu.region"() ({
      %run_scoped3A = tpu.sem_alloc : memref<!tpu.dma_semaphore, #tpu.memory_space<semaphore_mem>>
      %dma_start3A_52 = tpu.memref_slice %arg4[%mul3A_2] : memref<160000xi32, #tpu.memory_space<hbm>> -> memref<5000xi32, #tpu.memory_space<hbm>>
      %dma_start3A_53 = tpu.memref_slice %arg4[%mul3A_2] : memref<160000xi32, #tpu.memory_space<hbm>> -> memref<5000xi32, #tpu.memory_space<hbm>>
      tpu.enqueue_dma source(%dma_start3A_53 : memref<5000xi32, #tpu.memory_space<hbm>>) target(%arg8 : memref<5000xi32, #tpu.memory_space<vmem>>) target_semaphore(%run_scoped3A : memref<!tpu.dma_semaphore, #tpu.memory_space<semaphore_mem>>)
      %dma_wait3A_54 = tpu.memref_slice %arg4[%mul3A_2] : memref<160000xi32, #tpu.memory_space<hbm>> -> memref<5000xi32, #tpu.memory_space<hbm>>
      %dma_wait3A_55 = tpu.memref_slice %arg4[%mul3A_2] : memref<160000xi32, #tpu.memory_space<hbm>> -> memref<5000xi32, #tpu.memory_space<hbm>>
      tpu.wait_dma2 semaphore(%run_scoped3A : memref<!tpu.dma_semaphore, #tpu.memory_space<semaphore_mem>>) src(%dma_wait3A_55 : memref<5000xi32, #tpu.memory_space<hbm>>) dst(%arg8 : memref<5000xi32, #tpu.memory_space<vmem>>)
      tpu.yield
    }) : () -> ()
    "tpu.region"() ({
      %run_scoped3A = tpu.sem_alloc : memref<!tpu.dma_semaphore, #tpu.memory_space<semaphore_mem>>
      %dma_start3A_52 = tpu.memref_slice %arg5[%mul3A_2] : memref<160000xi32, #tpu.memory_space<hbm>> -> memref<5000xi32, #tpu.memory_space<hbm>>
      %dma_start3A_53 = tpu.memref_slice %arg5[%mul3A_2] : memref<160000xi32, #tpu.memory_space<hbm>> -> memref<5000xi32, #tpu.memory_space<hbm>>
      tpu.enqueue_dma source(%dma_start3A_53 : memref<5000xi32, #tpu.memory_space<hbm>>) target(%arg9 : memref<5000xi32, #tpu.memory_space<vmem>>) target_semaphore(%run_scoped3A : memref<!tpu.dma_semaphore, #tpu.memory_space<semaphore_mem>>)
      %dma_wait3A_54 = tpu.memref_slice %arg5[%mul3A_2] : memref<160000xi32, #tpu.memory_space<hbm>> -> memref<5000xi32, #tpu.memory_space<hbm>>
      %dma_wait3A_55 = tpu.memref_slice %arg5[%mul3A_2] : memref<160000xi32, #tpu.memory_space<hbm>> -> memref<5000xi32, #tpu.memory_space<hbm>>
      tpu.wait_dma2 semaphore(%run_scoped3A : memref<!tpu.dma_semaphore, #tpu.memory_space<semaphore_mem>>) src(%dma_wait3A_55 : memref<5000xi32, #tpu.memory_space<hbm>>) dst(%arg9 : memref<5000xi32, #tpu.memory_space<vmem>>)
      tpu.yield
    }) : () -> ()
    %dma_start3A = arith.constant 0 : i32
    %dma_start3A_3 = tpu.memref_slice %arg8[%dma_start3A] : memref<5000xi32, #tpu.memory_space<vmem>> -> memref<40xi32, #tpu.memory_space<vmem>>
    %dma_start3A_4 = arith.constant 0 : i32
    %dma_start3A_5 = arith.constant 0 : i32
    %dma_start3A_6 = tpu.memref_slice %arg2[%dma_start3A_4, %dma_start3A_5] : memref<10000x128xi32, #tpu.memory_space<hbm>> -> memref<10000x128xi32, #tpu.memory_space<hbm>>
    tpu.enqueue_indirect_dma source(%dma_start3A_6 : memref<10000x128xi32, #tpu.memory_space<hbm>>) target(%arg10 : memref<40x128xi32, #tpu.memory_space<vmem>>) offsets(%dma_start3A_3 : memref<40xi32, #tpu.memory_space<vmem>>) semaphore(%arg14 : memref<!tpu.dma_semaphore, #tpu.memory_space<semaphore_mem>>)
    %dma_start3A_7 = arith.constant 0 : i32
    %dma_start3A_8 = tpu.memref_slice %arg9[%dma_start3A_7] : memref<5000xi32, #tpu.memory_space<vmem>> -> memref<40xi32, #tpu.memory_space<vmem>>
    %dma_start3A_9 = arith.constant 0 : i32
    %dma_start3A_10 = arith.constant 0 : i32
    %dma_start3A_11 = tpu.memref_slice %arg3[%dma_start3A_9, %dma_start3A_10] : memref<10000x256xi32, #tpu.memory_space<hbm>> -> memref<10000x256xi32, #tpu.memory_space<hbm>>
    tpu.enqueue_indirect_dma source(%dma_start3A_11 : memref<10000x256xi32, #tpu.memory_space<hbm>>) target(%arg12 : memref<40x256xi32, #tpu.memory_space<vmem>>) offsets(%dma_start3A_8 : memref<40xi32, #tpu.memory_space<vmem>>) semaphore(%arg16 : memref<!tpu.dma_semaphore, #tpu.memory_space<semaphore_mem>>)
    %scan3A = arith.constant 0 : i32
    %scan3A_12 = arith.constant 0 : i32
    %scan3A_13 = arith.constant 62 : i32
    %scan3A_14 = arith.addi %scan3A_12, %scan3A_13 : i32
    %scan3A_15 = arith.constant 1 : i32
    scf.for %scan3A_52 = %scan3A_12 to %scan3A_14 step %scan3A_15  : i32 {
      %mul3A_53 = arith.constant 2 : i32
      %mul3A_54 = arith.muli %mul3A_53, %scan3A_52 : i32
      %add3A_55 = arith.constant 1 : i32
      %add3A_56 = arith.addi %mul3A_54, %add3A_55 : i32
      %ge3A = arith.constant 2 : i32
      %ge3A_57 = arith.cmpi sge, %add3A_56, %ge3A : i32
      %convert_element_type3A = arith.extui %ge3A_57 : i1 to i32
      %cond3A = arith.constant 0 : i32
      %cond3A_58 = arith.cmpi ne, %convert_element_type3A, %cond3A : i32
      scf.if %cond3A_58 {
        %dma_wait3A_130 = arith.constant 0 : i32
        %dma_wait3A_131 = tpu.memref_slice %arg6[%mul3A_2, %dma_wait3A_130] : memref<160000x128xi32, #tpu.memory_space<hbm>> -> memref<40x128xi32, #tpu.memory_space<hbm>>
        %dma_wait3A_132 = arith.constant 0 : i32
        %dma_wait3A_133 = tpu.memref_slice %arg6[%mul3A_2, %dma_wait3A_132] : memref<160000x128xi32, #tpu.memory_space<hbm>> -> memref<40x128xi32, #tpu.memory_space<hbm>>
        tpu.wait_dma2 semaphore(%arg19 : memref<!tpu.dma_semaphore, #tpu.memory_space<semaphore_mem>>) src(%arg11 : memref<40x128xi32, #tpu.memory_space<vmem>>) dst(%dma_wait3A_133 : memref<40x128xi32, #tpu.memory_space<hbm>>)
        %dma_wait3A_134 = arith.constant 0 : i32
        %dma_wait3A_135 = tpu.memref_slice %arg7[%mul3A_2, %dma_wait3A_134] : memref<160000x256xi32, #tpu.memory_space<hbm>> -> memref<40x256xi32, #tpu.memory_space<hbm>>
        %dma_wait3A_136 = arith.constant 0 : i32
        %dma_wait3A_137 = tpu.memref_slice %arg7[%mul3A_2, %dma_wait3A_136] : memref<160000x256xi32, #tpu.memory_space<hbm>> -> memref<40x256xi32, #tpu.memory_space<hbm>>
        tpu.wait_dma2 semaphore(%arg21 : memref<!tpu.dma_semaphore, #tpu.memory_space<semaphore_mem>>) src(%arg13 : memref<40x256xi32, #tpu.memory_space<vmem>>) dst(%dma_wait3A_137 : memref<40x256xi32, #tpu.memory_space<hbm>>)
      } else {
      }
      %mul3A_59 = arith.constant 40 : i32
      %mul3A_60 = arith.muli %add3A_56, %mul3A_59 : i32
      %dma_start3A_61 = tpu.memref_slice %arg8[%mul3A_60] : memref<5000xi32, #tpu.memory_space<vmem>> -> memref<40xi32, #tpu.memory_space<vmem>>
      %dma_start3A_62 = arith.constant 0 : i32
      %dma_start3A_63 = arith.constant 0 : i32
      %dma_start3A_64 = tpu.memref_slice %arg2[%dma_start3A_62, %dma_start3A_63] : memref<10000x128xi32, #tpu.memory_space<hbm>> -> memref<10000x128xi32, #tpu.memory_space<hbm>>
      tpu.enqueue_indirect_dma source(%dma_start3A_64 : memref<10000x128xi32, #tpu.memory_space<hbm>>) target(%arg11 : memref<40x128xi32, #tpu.memory_space<vmem>>) offsets(%dma_start3A_61 : memref<40xi32, #tpu.memory_space<vmem>>) semaphore(%arg15 : memref<!tpu.dma_semaphore, #tpu.memory_space<semaphore_mem>>)
      %dma_start3A_65 = tpu.memref_slice %arg9[%mul3A_60] : memref<5000xi32, #tpu.memory_space<vmem>> -> memref<40xi32, #tpu.memory_space<vmem>>
      %dma_start3A_66 = arith.constant 0 : i32
      %dma_start3A_67 = arith.constant 0 : i32
      %dma_start3A_68 = tpu.memref_slice %arg3[%dma_start3A_66, %dma_start3A_67] : memref<10000x256xi32, #tpu.memory_space<hbm>> -> memref<10000x256xi32, #tpu.memory_space<hbm>>
      tpu.enqueue_indirect_dma source(%dma_start3A_68 : memref<10000x256xi32, #tpu.memory_space<hbm>>) target(%arg13 : memref<40x256xi32, #tpu.memory_space<vmem>>) offsets(%dma_start3A_65 : memref<40xi32, #tpu.memory_space<vmem>>) semaphore(%arg17 : memref<!tpu.dma_semaphore, #tpu.memory_space<semaphore_mem>>)
      %mul3A_69 = arith.constant 40 : i32
      %mul3A_70 = arith.muli %mul3A_54, %mul3A_69 : i32
      %add3A_71 = arith.addi %mul3A_2, %mul3A_70 : i32
      %dma_wait3A_72 = arith.constant 0 : i32
      %dma_wait3A_73 = tpu.memref_slice %arg8[%dma_wait3A_72] : memref<5000xi32, #tpu.memory_space<vmem>> -> memref<40xi32, #tpu.memory_space<vmem>>
      %dma_wait3A_74 = arith.constant 0 : i32
      %dma_wait3A_75 = arith.constant 0 : i32
      %dma_wait3A_76 = tpu.memref_slice %arg2[%dma_wait3A_74, %dma_wait3A_75] : memref<10000x128xi32, #tpu.memory_space<hbm>> -> memref<10000x128xi32, #tpu.memory_space<hbm>>
      tpu.wait_indirect_dma semaphore(%arg14 : memref<!tpu.dma_semaphore, #tpu.memory_space<semaphore_mem>>) src(%dma_wait3A_76 : memref<10000x128xi32, #tpu.memory_space<hbm>>) dst(%arg10 : memref<40x128xi32, #tpu.memory_space<vmem>>)
      %dma_start3A_77 = arith.constant 0 : i32
      %dma_start3A_78 = tpu.memref_slice %arg6[%add3A_71, %dma_start3A_77] : memref<160000x128xi32, #tpu.memory_space<hbm>> -> memref<40x128xi32, #tpu.memory_space<hbm>>
      %dma_start3A_79 = arith.constant 0 : i32
      %dma_start3A_80 = tpu.memref_slice %arg6[%add3A_71, %dma_start3A_79] : memref<160000x128xi32, #tpu.memory_space<hbm>> -> memref<40x128xi32, #tpu.memory_space<hbm>>
      tpu.enqueue_dma source(%arg10 : memref<40x128xi32, #tpu.memory_space<vmem>>) target(%dma_start3A_80 : memref<40x128xi32, #tpu.memory_space<hbm>>) target_semaphore(%arg18 : memref<!tpu.dma_semaphore, #tpu.memory_space<semaphore_mem>>)
      %dma_wait3A_81 = arith.constant 0 : i32
      %dma_wait3A_82 = tpu.memref_slice %arg9[%dma_wait3A_81] : memref<5000xi32, #tpu.memory_space<vmem>> -> memref<40xi32, #tpu.memory_space<vmem>>
      %dma_wait3A_83 = arith.constant 0 : i32
      %dma_wait3A_84 = arith.constant 0 : i32
      %dma_wait3A_85 = tpu.memref_slice %arg3[%dma_wait3A_83, %dma_wait3A_84] : memref<10000x256xi32, #tpu.memory_space<hbm>> -> memref<10000x256xi32, #tpu.memory_space<hbm>>
      tpu.wait_indirect_dma semaphore(%arg16 : memref<!tpu.dma_semaphore, #tpu.memory_space<semaphore_mem>>) src(%dma_wait3A_85 : memref<10000x256xi32, #tpu.memory_space<hbm>>) dst(%arg12 : memref<40x256xi32, #tpu.memory_space<vmem>>)
      %dma_start3A_86 = arith.constant 0 : i32
      %dma_start3A_87 = tpu.memref_slice %arg7[%add3A_71, %dma_start3A_86] : memref<160000x256xi32, #tpu.memory_space<hbm>> -> memref<40x256xi32, #tpu.memory_space<hbm>>
      %dma_start3A_88 = arith.constant 0 : i32
      %dma_start3A_89 = tpu.memref_slice %arg7[%add3A_71, %dma_start3A_88] : memref<160000x256xi32, #tpu.memory_space<hbm>> -> memref<40x256xi32, #tpu.memory_space<hbm>>
      tpu.enqueue_dma source(%arg12 : memref<40x256xi32, #tpu.memory_space<vmem>>) target(%dma_start3A_89 : memref<40x256xi32, #tpu.memory_space<hbm>>) target_semaphore(%arg20 : memref<!tpu.dma_semaphore, #tpu.memory_space<semaphore_mem>>)
      %add3A_90 = arith.constant 2 : i32
      %add3A_91 = arith.addi %mul3A_54, %add3A_90 : i32
      %ge3A_92 = arith.constant 2 : i32
      %ge3A_93 = arith.cmpi sge, %add3A_91, %ge3A_92 : i32
      %convert_element_type3A_94 = arith.extui %ge3A_93 : i1 to i32
      %cond3A_95 = arith.constant 0 : i32
      %cond3A_96 = arith.cmpi ne, %convert_element_type3A_94, %cond3A_95 : i32
      scf.if %cond3A_96 {
        %dma_wait3A_130 = arith.constant 0 : i32
        %dma_wait3A_131 = tpu.memref_slice %arg6[%mul3A_2, %dma_wait3A_130] : memref<160000x128xi32, #tpu.memory_space<hbm>> -> memref<40x128xi32, #tpu.memory_space<hbm>>
        %dma_wait3A_132 = arith.constant 0 : i32
        %dma_wait3A_133 = tpu.memref_slice %arg6[%mul3A_2, %dma_wait3A_132] : memref<160000x128xi32, #tpu.memory_space<hbm>> -> memref<40x128xi32, #tpu.memory_space<hbm>>
        tpu.wait_dma2 semaphore(%arg18 : memref<!tpu.dma_semaphore, #tpu.memory_space<semaphore_mem>>) src(%arg10 : memref<40x128xi32, #tpu.memory_space<vmem>>) dst(%dma_wait3A_133 : memref<40x128xi32, #tpu.memory_space<hbm>>)
        %dma_wait3A_134 = arith.constant 0 : i32
        %dma_wait3A_135 = tpu.memref_slice %arg7[%mul3A_2, %dma_wait3A_134] : memref<160000x256xi32, #tpu.memory_space<hbm>> -> memref<40x256xi32, #tpu.memory_space<hbm>>
        %dma_wait3A_136 = arith.constant 0 : i32
        %dma_wait3A_137 = tpu.memref_slice %arg7[%mul3A_2, %dma_wait3A_136] : memref<160000x256xi32, #tpu.memory_space<hbm>> -> memref<40x256xi32, #tpu.memory_space<hbm>>
        tpu.wait_dma2 semaphore(%arg20 : memref<!tpu.dma_semaphore, #tpu.memory_space<semaphore_mem>>) src(%arg12 : memref<40x256xi32, #tpu.memory_space<vmem>>) dst(%dma_wait3A_137 : memref<40x256xi32, #tpu.memory_space<hbm>>)
      } else {
      }
      %mul3A_97 = arith.constant 40 : i32
      %mul3A_98 = arith.muli %add3A_91, %mul3A_97 : i32
      %dma_start3A_99 = tpu.memref_slice %arg8[%mul3A_98] : memref<5000xi32, #tpu.memory_space<vmem>> -> memref<40xi32, #tpu.memory_space<vmem>>
      %dma_start3A_100 = arith.constant 0 : i32
      %dma_start3A_101 = arith.constant 0 : i32
      %dma_start3A_102 = tpu.memref_slice %arg2[%dma_start3A_100, %dma_start3A_101] : memref<10000x128xi32, #tpu.memory_space<hbm>> -> memref<10000x128xi32, #tpu.memory_space<hbm>>
      tpu.enqueue_indirect_dma source(%dma_start3A_102 : memref<10000x128xi32, #tpu.memory_space<hbm>>) target(%arg10 : memref<40x128xi32, #tpu.memory_space<vmem>>) offsets(%dma_start3A_99 : memref<40xi32, #tpu.memory_space<vmem>>) semaphore(%arg14 : memref<!tpu.dma_semaphore, #tpu.memory_space<semaphore_mem>>)
      %dma_start3A_103 = tpu.memref_slice %arg9[%mul3A_98] : memref<5000xi32, #tpu.memory_space<vmem>> -> memref<40xi32, #tpu.memory_space<vmem>>
      %dma_start3A_104 = arith.constant 0 : i32
      %dma_start3A_105 = arith.constant 0 : i32
      %dma_start3A_106 = tpu.memref_slice %arg3[%dma_start3A_104, %dma_start3A_105] : memref<10000x256xi32, #tpu.memory_space<hbm>> -> memref<10000x256xi32, #tpu.memory_space<hbm>>
      tpu.enqueue_indirect_dma source(%dma_start3A_106 : memref<10000x256xi32, #tpu.memory_space<hbm>>) target(%arg12 : memref<40x256xi32, #tpu.memory_space<vmem>>) offsets(%dma_start3A_103 : memref<40xi32, #tpu.memory_space<vmem>>) semaphore(%arg16 : memref<!tpu.dma_semaphore, #tpu.memory_space<semaphore_mem>>)
      %add3A_107 = arith.constant 1 : i32
      %add3A_108 = arith.addi %mul3A_54, %add3A_107 : i32
      %mul3A_109 = arith.constant 40 : i32
      %mul3A_110 = arith.muli %add3A_108, %mul3A_109 : i32
      %add3A_111 = arith.addi %mul3A_2, %mul3A_110 : i32
      %dma_wait3A_112 = arith.constant 0 : i32
      %dma_wait3A_113 = tpu.memref_slice %arg8[%dma_wait3A_112] : memref<5000xi32, #tpu.memory_space<vmem>> -> memref<40xi32, #tpu.memory_space<vmem>>
      %dma_wait3A_114 = arith.constant 0 : i32
      %dma_wait3A_115 = arith.constant 0 : i32
      %dma_wait3A_116 = tpu.memref_slice %arg2[%dma_wait3A_114, %dma_wait3A_115] : memref<10000x128xi32, #tpu.memory_space<hbm>> -> memref<10000x128xi32, #tpu.memory_space<hbm>>
      tpu.wait_indirect_dma semaphore(%arg15 : memref<!tpu.dma_semaphore, #tpu.memory_space<semaphore_mem>>) src(%dma_wait3A_116 : memref<10000x128xi32, #tpu.memory_space<hbm>>) dst(%arg11 : memref<40x128xi32, #tpu.memory_space<vmem>>)
      %dma_start3A_117 = arith.constant 0 : i32
      %dma_start3A_118 = tpu.memref_slice %arg6[%add3A_111, %dma_start3A_117] : memref<160000x128xi32, #tpu.memory_space<hbm>> -> memref<40x128xi32, #tpu.memory_space<hbm>>
      %dma_start3A_119 = arith.constant 0 : i32
      %dma_start3A_120 = tpu.memref_slice %arg6[%add3A_111, %dma_start3A_119] : memref<160000x128xi32, #tpu.memory_space<hbm>> -> memref<40x128xi32, #tpu.memory_space<hbm>>
      tpu.enqueue_dma source(%arg11 : memref<40x128xi32, #tpu.memory_space<vmem>>) target(%dma_start3A_120 : memref<40x128xi32, #tpu.memory_space<hbm>>) target_semaphore(%arg19 : memref<!tpu.dma_semaphore, #tpu.memory_space<semaphore_mem>>)
      %dma_wait3A_121 = arith.constant 0 : i32
      %dma_wait3A_122 = tpu.memref_slice %arg9[%dma_wait3A_121] : memref<5000xi32, #tpu.memory_space<vmem>> -> memref<40xi32, #tpu.memory_space<vmem>>
      %dma_wait3A_123 = arith.constant 0 : i32
      %dma_wait3A_124 = arith.constant 0 : i32
      %dma_wait3A_125 = tpu.memref_slice %arg3[%dma_wait3A_123, %dma_wait3A_124] : memref<10000x256xi32, #tpu.memory_space<hbm>> -> memref<10000x256xi32, #tpu.memory_space<hbm>>
      tpu.wait_indirect_dma semaphore(%arg17 : memref<!tpu.dma_semaphore, #tpu.memory_space<semaphore_mem>>) src(%dma_wait3A_125 : memref<10000x256xi32, #tpu.memory_space<hbm>>) dst(%arg13 : memref<40x256xi32, #tpu.memory_space<vmem>>)
      %dma_start3A_126 = arith.constant 0 : i32
      %dma_start3A_127 = tpu.memref_slice %arg7[%add3A_111, %dma_start3A_126] : memref<160000x256xi32, #tpu.memory_space<hbm>> -> memref<40x256xi32, #tpu.memory_space<hbm>>
      %dma_start3A_128 = arith.constant 0 : i32
      %dma_start3A_129 = tpu.memref_slice %arg7[%add3A_111, %dma_start3A_128] : memref<160000x256xi32, #tpu.memory_space<hbm>> -> memref<40x256xi32, #tpu.memory_space<hbm>>
      tpu.enqueue_dma source(%arg13 : memref<40x256xi32, #tpu.memory_space<vmem>>) target(%dma_start3A_129 : memref<40x256xi32, #tpu.memory_space<hbm>>) target_semaphore(%arg21 : memref<!tpu.dma_semaphore, #tpu.memory_space<semaphore_mem>>)
    }
    %scan3A_16 = arith.constant 62 : i32
    %add3A_17 = arith.constant 4960 : i32
    %add3A_18 = arith.addi %mul3A_2, %add3A_17 : i32
    %dma_wait3A = arith.constant 0 : i32
    %dma_wait3A_19 = tpu.memref_slice %arg8[%dma_wait3A] : memref<5000xi32, #tpu.memory_space<vmem>> -> memref<40xi32, #tpu.memory_space<vmem>>
    %dma_wait3A_20 = arith.constant 0 : i32
    %dma_wait3A_21 = arith.constant 0 : i32
    %dma_wait3A_22 = tpu.memref_slice %arg2[%dma_wait3A_20, %dma_wait3A_21] : memref<10000x128xi32, #tpu.memory_space<hbm>> -> memref<10000x128xi32, #tpu.memory_space<hbm>>
    tpu.wait_indirect_dma semaphore(%arg14 : memref<!tpu.dma_semaphore, #tpu.memory_space<semaphore_mem>>) src(%dma_wait3A_22 : memref<10000x128xi32, #tpu.memory_space<hbm>>) dst(%arg10 : memref<40x128xi32, #tpu.memory_space<vmem>>)
    %dma_start3A_23 = arith.constant 0 : i32
    %dma_start3A_24 = tpu.memref_slice %arg6[%add3A_18, %dma_start3A_23] : memref<160000x128xi32, #tpu.memory_space<hbm>> -> memref<40x128xi32, #tpu.memory_space<hbm>>
    %dma_start3A_25 = arith.constant 0 : i32
    %dma_start3A_26 = tpu.memref_slice %arg6[%add3A_18, %dma_start3A_25] : memref<160000x128xi32, #tpu.memory_space<hbm>> -> memref<40x128xi32, #tpu.memory_space<hbm>>
    tpu.enqueue_dma source(%arg10 : memref<40x128xi32, #tpu.memory_space<vmem>>) target(%dma_start3A_26 : memref<40x128xi32, #tpu.memory_space<hbm>>) target_semaphore(%arg18 : memref<!tpu.dma_semaphore, #tpu.memory_space<semaphore_mem>>)
    %dma_wait3A_27 = arith.constant 0 : i32
    %dma_wait3A_28 = tpu.memref_slice %arg9[%dma_wait3A_27] : memref<5000xi32, #tpu.memory_space<vmem>> -> memref<40xi32, #tpu.memory_space<vmem>>
    %dma_wait3A_29 = arith.constant 0 : i32
    %dma_wait3A_30 = arith.constant 0 : i32
    %dma_wait3A_31 = tpu.memref_slice %arg3[%dma_wait3A_29, %dma_wait3A_30] : memref<10000x256xi32, #tpu.memory_space<hbm>> -> memref<10000x256xi32, #tpu.memory_space<hbm>>
    tpu.wait_indirect_dma semaphore(%arg16 : memref<!tpu.dma_semaphore, #tpu.memory_space<semaphore_mem>>) src(%dma_wait3A_31 : memref<10000x256xi32, #tpu.memory_space<hbm>>) dst(%arg12 : memref<40x256xi32, #tpu.memory_space<vmem>>)
    %dma_start3A_32 = arith.constant 0 : i32
    %dma_start3A_33 = tpu.memref_slice %arg7[%add3A_18, %dma_start3A_32] : memref<160000x256xi32, #tpu.memory_space<hbm>> -> memref<40x256xi32, #tpu.memory_space<hbm>>
    %dma_start3A_34 = arith.constant 0 : i32
    %dma_start3A_35 = tpu.memref_slice %arg7[%add3A_18, %dma_start3A_34] : memref<160000x256xi32, #tpu.memory_space<hbm>> -> memref<40x256xi32, #tpu.memory_space<hbm>>
    tpu.enqueue_dma source(%arg12 : memref<40x256xi32, #tpu.memory_space<vmem>>) target(%dma_start3A_35 : memref<40x256xi32, #tpu.memory_space<hbm>>) target_semaphore(%arg20 : memref<!tpu.dma_semaphore, #tpu.memory_space<semaphore_mem>>)
    %dma_wait3A_36 = arith.constant 0 : i32
    %dma_wait3A_37 = tpu.memref_slice %arg6[%mul3A_2, %dma_wait3A_36] : memref<160000x128xi32, #tpu.memory_space<hbm>> -> memref<40x128xi32, #tpu.memory_space<hbm>>
    %dma_wait3A_38 = arith.constant 0 : i32
    %dma_wait3A_39 = tpu.memref_slice %arg6[%mul3A_2, %dma_wait3A_38] : memref<160000x128xi32, #tpu.memory_space<hbm>> -> memref<40x128xi32, #tpu.memory_space<hbm>>
    tpu.wait_dma2 semaphore(%arg18 : memref<!tpu.dma_semaphore, #tpu.memory_space<semaphore_mem>>) src(%arg10 : memref<40x128xi32, #tpu.memory_space<vmem>>) dst(%dma_wait3A_39 : memref<40x128xi32, #tpu.memory_space<hbm>>)
    %dma_wait3A_40 = arith.constant 0 : i32
    %dma_wait3A_41 = tpu.memref_slice %arg7[%mul3A_2, %dma_wait3A_40] : memref<160000x256xi32, #tpu.memory_space<hbm>> -> memref<40x256xi32, #tpu.memory_space<hbm>>
    %dma_wait3A_42 = arith.constant 0 : i32
    %dma_wait3A_43 = tpu.memref_slice %arg7[%mul3A_2, %dma_wait3A_42] : memref<160000x256xi32, #tpu.memory_space<hbm>> -> memref<40x256xi32, #tpu.memory_space<hbm>>
    tpu.wait_dma2 semaphore(%arg20 : memref<!tpu.dma_semaphore, #tpu.memory_space<semaphore_mem>>) src(%arg12 : memref<40x256xi32, #tpu.memory_space<vmem>>) dst(%dma_wait3A_43 : memref<40x256xi32, #tpu.memory_space<hbm>>)
    %dma_wait3A_44 = arith.constant 0 : i32
    %dma_wait3A_45 = tpu.memref_slice %arg6[%mul3A_2, %dma_wait3A_44] : memref<160000x128xi32, #tpu.memory_space<hbm>> -> memref<40x128xi32, #tpu.memory_space<hbm>>
    %dma_wait3A_46 = arith.constant 0 : i32
    %dma_wait3A_47 = tpu.memref_slice %arg6[%mul3A_2, %dma_wait3A_46] : memref<160000x128xi32, #tpu.memory_space<hbm>> -> memref<40x128xi32, #tpu.memory_space<hbm>>
    tpu.wait_dma2 semaphore(%arg19 : memref<!tpu.dma_semaphore, #tpu.memory_space<semaphore_mem>>) src(%arg11 : memref<40x128xi32, #tpu.memory_space<vmem>>) dst(%dma_wait3A_47 : memref<40x128xi32, #tpu.memory_space<hbm>>)
    %dma_wait3A_48 = arith.constant 0 : i32
    %dma_wait3A_49 = tpu.memref_slice %arg7[%mul3A_2, %dma_wait3A_48] : memref<160000x256xi32, #tpu.memory_space<hbm>> -> memref<40x256xi32, #tpu.memory_space<hbm>>
    %dma_wait3A_50 = arith.constant 0 : i32
    %dma_wait3A_51 = tpu.memref_slice %arg7[%mul3A_2, %dma_wait3A_50] : memref<160000x256xi32, #tpu.memory_space<hbm>> -> memref<40x256xi32, #tpu.memory_space<hbm>>
    tpu.wait_dma2 semaphore(%arg21 : memref<!tpu.dma_semaphore, #tpu.memory_space<semaphore_mem>>) src(%arg13 : memref<40x256xi32, #tpu.memory_space<vmem>>) dst(%dma_wait3A_51 : memref<40x256xi32, #tpu.memory_space<hbm>>)
    return
  }
}

#map = affine_map<(d0, d1) -> (0, 0)>
#map1 = affine_map<(d0, d1) -> (0)>
module attributes {stable_mosaic.version = 14 : i64} {
  func.func @_sc_scatter_body(%arg0: i32, %arg1: i32, %arg2: memref<160000x256xf32, #tpu.memory_space<hbm>>, %arg3: memref<160000xi32, #tpu.memory_space<hbm>>, %arg4: memref<10240x128xf32, #tpu.memory_space<hbm>>, %arg5: memref<10240x256xf32, #tpu.memory_space<hbm>>, %arg6: memref<80xi32, #tpu.memory_space<vmem>>, %arg7: memref<80xi32, #tpu.memory_space<vmem>>, %arg8: memref<80x128xf32, #tpu.memory_space<vmem>>, %arg9: memref<80x128xf32, #tpu.memory_space<vmem>>, %arg10: memref<10240x128xf32, #tpu.memory_space<vmem_shared>>, %arg11: memref<!tpu.dma_semaphore, #tpu.memory_space<semaphore_mem>>, %arg12: memref<!tpu.dma_semaphore, #tpu.memory_space<semaphore_mem>>, %arg13: memref<!tpu.dma_semaphore, #tpu.memory_space<semaphore_mem>>, %arg14: memref<!tpu.dma_semaphore, #tpu.memory_space<semaphore_mem>>) attributes {dimension_semantics = [#tpu.dimension_semantics<core_parallel>, #tpu.dimension_semantics<subcore_parallel>], iteration_bounds = array<i64: 2, 16>, scalar_prefetch = 0 : i64, scratch_operands = 9 : i64, tpu.core_type = #tpu.core_type<sc_vector_subcore>, window_params = [{transform_indices = #map}, {transform_indices = #map1}, {transform_indices = #map}, {transform_indices = #map}]} {
    %mul3A = arith.constant 640 : i32
    %mul3A_0 = arith.muli %arg1, %mul3A : i32
    %mul3A_1 = arith.constant 640 : i32
    %mul3A_2 = arith.muli %arg1, %mul3A_1 : i32
    "tpu.region"() ({
      %run_scoped3A = tpu.sem_alloc : memref<!tpu.dma_semaphore, #tpu.memory_space<semaphore_mem>>
      %dma_start3A_30 = arith.constant 0 : i32
      %dma_start3A_31 = tpu.memref_slice %arg10[%mul3A_2, %dma_start3A_30] : memref<10240x128xf32, #tpu.memory_space<vmem_shared>> -> memref<640x128xf32, #tpu.memory_space<vmem_shared>>
      %dma_start3A_32 = arith.constant 0 : i32
      %dma_start3A_33 = tpu.memref_slice %arg4[%mul3A_0, %dma_start3A_32] : memref<10240x128xf32, #tpu.memory_space<hbm>> -> memref<640x128xf32, #tpu.memory_space<hbm>>
      tpu.enqueue_dma source(%dma_start3A_33 : memref<640x128xf32, #tpu.memory_space<hbm>>) target(%dma_start3A_31 : memref<640x128xf32, #tpu.memory_space<vmem_shared>>) target_semaphore(%run_scoped3A : memref<!tpu.dma_semaphore, #tpu.memory_space<semaphore_mem>>)
      %dma_wait3A_34 = arith.constant 0 : i32
      %dma_wait3A_35 = tpu.memref_slice %arg10[%mul3A_2, %dma_wait3A_34] : memref<10240x128xf32, #tpu.memory_space<vmem_shared>> -> memref<640x128xf32, #tpu.memory_space<vmem_shared>>
      %dma_wait3A_36 = arith.constant 0 : i32
      %dma_wait3A_37 = tpu.memref_slice %arg4[%mul3A_0, %dma_wait3A_36] : memref<10240x128xf32, #tpu.memory_space<hbm>> -> memref<640x128xf32, #tpu.memory_space<hbm>>
      tpu.wait_dma2 semaphore(%run_scoped3A : memref<!tpu.dma_semaphore, #tpu.memory_space<semaphore_mem>>) src(%dma_wait3A_37 : memref<640x128xf32, #tpu.memory_space<hbm>>) dst(%dma_wait3A_35 : memref<640x128xf32, #tpu.memory_space<vmem_shared>>)
      tpu.yield
    }) : () -> ()
    %barrier3A = arith.constant 0 : index
    tpu.barrier barrier_id(%barrier3A)
    %mul3A_3 = arith.constant 10000 : i32
    %mul3A_4 = arith.muli %arg1, %mul3A_3 : i32
    %mul3A_5 = arith.constant 128 : i32
    %mul3A_6 = arith.muli %arg0, %mul3A_5 : i32
    %add3A = arith.constant 0 : i32
    %add3A_7 = arith.addi %mul3A_4, %add3A : i32
    %dma_start3A = tpu.memref_slice %arg3[%add3A_7] : memref<160000xi32, #tpu.memory_space<hbm>> -> memref<80xi32, #tpu.memory_space<hbm>>
    %dma_start3A_8 = tpu.memref_slice %arg3[%add3A_7] : memref<160000xi32, #tpu.memory_space<hbm>> -> memref<80xi32, #tpu.memory_space<hbm>>
    tpu.enqueue_dma source(%dma_start3A_8 : memref<80xi32, #tpu.memory_space<hbm>>) target(%arg6 : memref<80xi32, #tpu.memory_space<vmem>>) target_semaphore(%arg11 : memref<!tpu.dma_semaphore, #tpu.memory_space<semaphore_mem>>)
    %add3A_9 = arith.constant 0 : i32
    %add3A_10 = arith.addi %mul3A_4, %add3A_9 : i32
    %dma_start3A_11 = tpu.memref_slice %arg2[%add3A_10, %mul3A_6] : memref<160000x256xf32, #tpu.memory_space<hbm>> -> memref<80x128xf32, #tpu.memory_space<hbm>>
    %dma_start3A_12 = tpu.memref_slice %arg2[%add3A_10, %mul3A_6] : memref<160000x256xf32, #tpu.memory_space<hbm>> -> memref<80x128xf32, #tpu.memory_space<hbm>>
    tpu.enqueue_dma source(%dma_start3A_12 : memref<80x128xf32, #tpu.memory_space<hbm>>) target(%arg8 : memref<80x128xf32, #tpu.memory_space<vmem>>) target_semaphore(%arg13 : memref<!tpu.dma_semaphore, #tpu.memory_space<semaphore_mem>>)
    %scan3A = arith.constant 0 : i32
    %scan3A_13 = arith.constant 0 : i32
    %scan3A_14 = arith.constant 62 : i32
    %scan3A_15 = arith.addi %scan3A_13, %scan3A_14 : i32
    %scan3A_16 = arith.constant 1 : i32
    scf.for %scan3A_30 = %scan3A_13 to %scan3A_15 step %scan3A_16  : i32 {
      %mul3A_31 = arith.constant 2 : i32
      %mul3A_32 = arith.muli %mul3A_31, %scan3A_30 : i32
      %add3A_33 = arith.constant 1 : i32
      %add3A_34 = arith.addi %mul3A_32, %add3A_33 : i32
      %mul3A_35 = arith.constant 80 : i32
      %mul3A_36 = arith.muli %add3A_34, %mul3A_35 : i32
      %add3A_37 = arith.addi %mul3A_4, %mul3A_36 : i32
      %dma_start3A_38 = tpu.memref_slice %arg3[%add3A_37] : memref<160000xi32, #tpu.memory_space<hbm>> -> memref<80xi32, #tpu.memory_space<hbm>>
      %dma_start3A_39 = tpu.memref_slice %arg3[%add3A_37] : memref<160000xi32, #tpu.memory_space<hbm>> -> memref<80xi32, #tpu.memory_space<hbm>>
      tpu.enqueue_dma source(%dma_start3A_39 : memref<80xi32, #tpu.memory_space<hbm>>) target(%arg7 : memref<80xi32, #tpu.memory_space<vmem>>) target_semaphore(%arg12 : memref<!tpu.dma_semaphore, #tpu.memory_space<semaphore_mem>>)
      %mul3A_40 = arith.constant 80 : i32
      %mul3A_41 = arith.muli %add3A_34, %mul3A_40 : i32
      %add3A_42 = arith.addi %mul3A_4, %mul3A_41 : i32
      %dma_start3A_43 = tpu.memref_slice %arg2[%add3A_42, %mul3A_6] : memref<160000x256xf32, #tpu.memory_space<hbm>> -> memref<80x128xf32, #tpu.memory_space<hbm>>
      %dma_start3A_44 = tpu.memref_slice %arg2[%add3A_42, %mul3A_6] : memref<160000x256xf32, #tpu.memory_space<hbm>> -> memref<80x128xf32, #tpu.memory_space<hbm>>
      tpu.enqueue_dma source(%dma_start3A_44 : memref<80x128xf32, #tpu.memory_space<hbm>>) target(%arg9 : memref<80x128xf32, #tpu.memory_space<vmem>>) target_semaphore(%arg14 : memref<!tpu.dma_semaphore, #tpu.memory_space<semaphore_mem>>)
      %mul3A_45 = arith.constant 80 : i32
      %mul3A_46 = arith.muli %mul3A_32, %mul3A_45 : i32
      %add3A_47 = arith.addi %mul3A_4, %mul3A_46 : i32
      %dma_wait3A_48 = tpu.memref_slice %arg3[%add3A_47] : memref<160000xi32, #tpu.memory_space<hbm>> -> memref<80xi32, #tpu.memory_space<hbm>>
      %dma_wait3A_49 = tpu.memref_slice %arg3[%add3A_47] : memref<160000xi32, #tpu.memory_space<hbm>> -> memref<80xi32, #tpu.memory_space<hbm>>
      tpu.wait_dma2 semaphore(%arg11 : memref<!tpu.dma_semaphore, #tpu.memory_space<semaphore_mem>>) src(%dma_wait3A_49 : memref<80xi32, #tpu.memory_space<hbm>>) dst(%arg6 : memref<80xi32, #tpu.memory_space<vmem>>)
      %mul3A_50 = arith.constant 80 : i32
      %mul3A_51 = arith.muli %mul3A_32, %mul3A_50 : i32
      %add3A_52 = arith.addi %mul3A_4, %mul3A_51 : i32
      %dma_wait3A_53 = tpu.memref_slice %arg2[%add3A_52, %mul3A_6] : memref<160000x256xf32, #tpu.memory_space<hbm>> -> memref<80x128xf32, #tpu.memory_space<hbm>>
      %dma_wait3A_54 = tpu.memref_slice %arg2[%add3A_52, %mul3A_6] : memref<160000x256xf32, #tpu.memory_space<hbm>> -> memref<80x128xf32, #tpu.memory_space<hbm>>
      tpu.wait_dma2 semaphore(%arg13 : memref<!tpu.dma_semaphore, #tpu.memory_space<semaphore_mem>>) src(%dma_wait3A_54 : memref<80x128xf32, #tpu.memory_space<hbm>>) dst(%arg8 : memref<80x128xf32, #tpu.memory_space<vmem>>)
      "tpu.region"() ({
        %run_scoped3A = tpu.sem_alloc : memref<!tpu.dma_semaphore, #tpu.memory_space<semaphore_mem>>
        %dma_start3A_79 = arith.constant 0 : i32
        %dma_start3A_80 = arith.constant 0 : i32
        %dma_start3A_81 = tpu.memref_slice %arg10[%dma_start3A_79, %dma_start3A_80] : memref<10240x128xf32, #tpu.memory_space<vmem_shared>> -> memref<10240x128xf32, #tpu.memory_space<vmem_shared>>
        tpu.enqueue_indirect_dma source(%arg8 : memref<80x128xf32, #tpu.memory_space<vmem>>) target(%dma_start3A_81 : memref<10240x128xf32, #tpu.memory_space<vmem_shared>>) offsets(%arg6 : memref<80xi32, #tpu.memory_space<vmem>>) semaphore(%run_scoped3A : memref<!tpu.dma_semaphore, #tpu.memory_space<semaphore_mem>>) {add = true}
        %dma_wait3A_82 = arith.constant 0 : i32
        %dma_wait3A_83 = arith.constant 0 : i32
        %dma_wait3A_84 = tpu.memref_slice %arg10[%dma_wait3A_82, %dma_wait3A_83] : memref<10240x128xf32, #tpu.memory_space<vmem_shared>> -> memref<10240x128xf32, #tpu.memory_space<vmem_shared>>
        tpu.wait_indirect_dma semaphore(%run_scoped3A : memref<!tpu.dma_semaphore, #tpu.memory_space<semaphore_mem>>) src(%arg8 : memref<80x128xf32, #tpu.memory_space<vmem>>) dst(%dma_wait3A_84 : memref<10240x128xf32, #tpu.memory_space<vmem_shared>>)
        tpu.yield
      }) : () -> ()
      %add3A_55 = arith.constant 2 : i32
      %add3A_56 = arith.addi %mul3A_32, %add3A_55 : i32
      %mul3A_57 = arith.constant 80 : i32
      %mul3A_58 = arith.muli %add3A_56, %mul3A_57 : i32
      %add3A_59 = arith.addi %mul3A_4, %mul3A_58 : i32
      %dma_start3A_60 = tpu.memref_slice %arg3[%add3A_59] : memref<160000xi32, #tpu.memory_space<hbm>> -> memref<80xi32, #tpu.memory_space<hbm>>
      %dma_start3A_61 = tpu.memref_slice %arg3[%add3A_59] : memref<160000xi32, #tpu.memory_space<hbm>> -> memref<80xi32, #tpu.memory_space<hbm>>
      tpu.enqueue_dma source(%dma_start3A_61 : memref<80xi32, #tpu.memory_space<hbm>>) target(%arg6 : memref<80xi32, #tpu.memory_space<vmem>>) target_semaphore(%arg11 : memref<!tpu.dma_semaphore, #tpu.memory_space<semaphore_mem>>)
      %mul3A_62 = arith.constant 80 : i32
      %mul3A_63 = arith.muli %add3A_56, %mul3A_62 : i32
      %add3A_64 = arith.addi %mul3A_4, %mul3A_63 : i32
      %dma_start3A_65 = tpu.memref_slice %arg2[%add3A_64, %mul3A_6] : memref<160000x256xf32, #tpu.memory_space<hbm>> -> memref<80x128xf32, #tpu.memory_space<hbm>>
      %dma_start3A_66 = tpu.memref_slice %arg2[%add3A_64, %mul3A_6] : memref<160000x256xf32, #tpu.memory_space<hbm>> -> memref<80x128xf32, #tpu.memory_space<hbm>>
      tpu.enqueue_dma source(%dma_start3A_66 : memref<80x128xf32, #tpu.memory_space<hbm>>) target(%arg8 : memref<80x128xf32, #tpu.memory_space<vmem>>) target_semaphore(%arg13 : memref<!tpu.dma_semaphore, #tpu.memory_space<semaphore_mem>>)
      %add3A_67 = arith.constant 1 : i32
      %add3A_68 = arith.addi %mul3A_32, %add3A_67 : i32
      %mul3A_69 = arith.constant 80 : i32
      %mul3A_70 = arith.muli %add3A_68, %mul3A_69 : i32
      %add3A_71 = arith.addi %mul3A_4, %mul3A_70 : i32
      %dma_wait3A_72 = tpu.memref_slice %arg3[%add3A_71] : memref<160000xi32, #tpu.memory_space<hbm>> -> memref<80xi32, #tpu.memory_space<hbm>>
      %dma_wait3A_73 = tpu.memref_slice %arg3[%add3A_71] : memref<160000xi32, #tpu.memory_space<hbm>> -> memref<80xi32, #tpu.memory_space<hbm>>
      tpu.wait_dma2 semaphore(%arg12 : memref<!tpu.dma_semaphore, #tpu.memory_space<semaphore_mem>>) src(%dma_wait3A_73 : memref<80xi32, #tpu.memory_space<hbm>>) dst(%arg7 : memref<80xi32, #tpu.memory_space<vmem>>)
      %mul3A_74 = arith.constant 80 : i32
      %mul3A_75 = arith.muli %add3A_68, %mul3A_74 : i32
      %add3A_76 = arith.addi %mul3A_4, %mul3A_75 : i32
      %dma_wait3A_77 = tpu.memref_slice %arg2[%add3A_76, %mul3A_6] : memref<160000x256xf32, #tpu.memory_space<hbm>> -> memref<80x128xf32, #tpu.memory_space<hbm>>
      %dma_wait3A_78 = tpu.memref_slice %arg2[%add3A_76, %mul3A_6] : memref<160000x256xf32, #tpu.memory_space<hbm>> -> memref<80x128xf32, #tpu.memory_space<hbm>>
      tpu.wait_dma2 semaphore(%arg14 : memref<!tpu.dma_semaphore, #tpu.memory_space<semaphore_mem>>) src(%dma_wait3A_78 : memref<80x128xf32, #tpu.memory_space<hbm>>) dst(%arg9 : memref<80x128xf32, #tpu.memory_space<vmem>>)
      "tpu.region"() ({
        %run_scoped3A = tpu.sem_alloc : memref<!tpu.dma_semaphore, #tpu.memory_space<semaphore_mem>>
        %dma_start3A_79 = arith.constant 0 : i32
        %dma_start3A_80 = arith.constant 0 : i32
        %dma_start3A_81 = tpu.memref_slice %arg10[%dma_start3A_79, %dma_start3A_80] : memref<10240x128xf32, #tpu.memory_space<vmem_shared>> -> memref<10240x128xf32, #tpu.memory_space<vmem_shared>>
        tpu.enqueue_indirect_dma source(%arg9 : memref<80x128xf32, #tpu.memory_space<vmem>>) target(%dma_start3A_81 : memref<10240x128xf32, #tpu.memory_space<vmem_shared>>) offsets(%arg7 : memref<80xi32, #tpu.memory_space<vmem>>) semaphore(%run_scoped3A : memref<!tpu.dma_semaphore, #tpu.memory_space<semaphore_mem>>) {add = true}
        %dma_wait3A_82 = arith.constant 0 : i32
        %dma_wait3A_83 = arith.constant 0 : i32
        %dma_wait3A_84 = tpu.memref_slice %arg10[%dma_wait3A_82, %dma_wait3A_83] : memref<10240x128xf32, #tpu.memory_space<vmem_shared>> -> memref<10240x128xf32, #tpu.memory_space<vmem_shared>>
        tpu.wait_indirect_dma semaphore(%run_scoped3A : memref<!tpu.dma_semaphore, #tpu.memory_space<semaphore_mem>>) src(%arg9 : memref<80x128xf32, #tpu.memory_space<vmem>>) dst(%dma_wait3A_84 : memref<10240x128xf32, #tpu.memory_space<vmem_shared>>)
        tpu.yield
      }) : () -> ()
    }
    %scan3A_17 = arith.constant 62 : i32
    %add3A_18 = arith.constant 9920 : i32
    %add3A_19 = arith.addi %mul3A_4, %add3A_18 : i32
    %dma_wait3A = tpu.memref_slice %arg3[%add3A_19] : memref<160000xi32, #tpu.memory_space<hbm>> -> memref<80xi32, #tpu.memory_space<hbm>>
    %dma_wait3A_20 = tpu.memref_slice %arg3[%add3A_19] : memref<160000xi32, #tpu.memory_space<hbm>> -> memref<80xi32, #tpu.memory_space<hbm>>
    tpu.wait_dma2 semaphore(%arg11 : memref<!tpu.dma_semaphore, #tpu.memory_space<semaphore_mem>>) src(%dma_wait3A_20 : memref<80xi32, #tpu.memory_space<hbm>>) dst(%arg6 : memref<80xi32, #tpu.memory_space<vmem>>)
    %add3A_21 = arith.constant 9920 : i32
    %add3A_22 = arith.addi %mul3A_4, %add3A_21 : i32
    %dma_wait3A_23 = tpu.memref_slice %arg2[%add3A_22, %mul3A_6] : memref<160000x256xf32, #tpu.memory_space<hbm>> -> memref<80x128xf32, #tpu.memory_space<hbm>>
    %dma_wait3A_24 = tpu.memref_slice %arg2[%add3A_22, %mul3A_6] : memref<160000x256xf32, #tpu.memory_space<hbm>> -> memref<80x128xf32, #tpu.memory_space<hbm>>
    tpu.wait_dma2 semaphore(%arg13 : memref<!tpu.dma_semaphore, #tpu.memory_space<semaphore_mem>>) src(%dma_wait3A_24 : memref<80x128xf32, #tpu.memory_space<hbm>>) dst(%arg8 : memref<80x128xf32, #tpu.memory_space<vmem>>)
    "tpu.region"() ({
      %run_scoped3A = tpu.sem_alloc : memref<!tpu.dma_semaphore, #tpu.memory_space<semaphore_mem>>
      %dma_start3A_30 = arith.constant 0 : i32
      %dma_start3A_31 = arith.constant 0 : i32
      %dma_start3A_32 = tpu.memref_slice %arg10[%dma_start3A_30, %dma_start3A_31] : memref<10240x128xf32, #tpu.memory_space<vmem_shared>> -> memref<10240x128xf32, #tpu.memory_space<vmem_shared>>
      tpu.enqueue_indirect_dma source(%arg8 : memref<80x128xf32, #tpu.memory_space<vmem>>) target(%dma_start3A_32 : memref<10240x128xf32, #tpu.memory_space<vmem_shared>>) offsets(%arg6 : memref<80xi32, #tpu.memory_space<vmem>>) semaphore(%run_scoped3A : memref<!tpu.dma_semaphore, #tpu.memory_space<semaphore_mem>>) {add = true}
      %dma_wait3A_33 = arith.constant 0 : i32
      %dma_wait3A_34 = arith.constant 0 : i32
      %dma_wait3A_35 = tpu.memref_slice %arg10[%dma_wait3A_33, %dma_wait3A_34] : memref<10240x128xf32, #tpu.memory_space<vmem_shared>> -> memref<10240x128xf32, #tpu.memory_space<vmem_shared>>
      tpu.wait_indirect_dma semaphore(%run_scoped3A : memref<!tpu.dma_semaphore, #tpu.memory_space<semaphore_mem>>) src(%arg8 : memref<80x128xf32, #tpu.memory_space<vmem>>) dst(%dma_wait3A_35 : memref<10240x128xf32, #tpu.memory_space<vmem_shared>>)
      tpu.yield
    }) : () -> ()
    %barrier3A_25 = arith.constant 0 : index
    tpu.barrier barrier_id(%barrier3A_25)
    %mul3A_26 = arith.constant 640 : i32
    %mul3A_27 = arith.muli %arg1, %mul3A_26 : i32
    %mul3A_28 = arith.constant 640 : i32
    %mul3A_29 = arith.muli %arg1, %mul3A_28 : i32
    "tpu.region"() ({
      %run_scoped3A = tpu.sem_alloc : memref<!tpu.dma_semaphore, #tpu.memory_space<semaphore_mem>>
      %dma_start3A_30 = tpu.memref_slice %arg5[%mul3A_29, %mul3A_6] : memref<10240x256xf32, #tpu.memory_space<hbm>> -> memref<640x128xf32, #tpu.memory_space<hbm>>
      %dma_start3A_31 = arith.constant 0 : i32
      %dma_start3A_32 = tpu.memref_slice %arg10[%mul3A_27, %dma_start3A_31] : memref<10240x128xf32, #tpu.memory_space<vmem_shared>> -> memref<640x128xf32, #tpu.memory_space<vmem_shared>>
      tpu.enqueue_dma source(%dma_start3A_32 : memref<640x128xf32, #tpu.memory_space<vmem_shared>>) target(%dma_start3A_30 : memref<640x128xf32, #tpu.memory_space<hbm>>) target_semaphore(%run_scoped3A : memref<!tpu.dma_semaphore, #tpu.memory_space<semaphore_mem>>)
      %dma_wait3A_33 = tpu.memref_slice %arg5[%mul3A_29, %mul3A_6] : memref<10240x256xf32, #tpu.memory_space<hbm>> -> memref<640x128xf32, #tpu.memory_space<hbm>>
      %dma_wait3A_34 = arith.constant 0 : i32
      %dma_wait3A_35 = tpu.memref_slice %arg10[%mul3A_27, %dma_wait3A_34] : memref<10240x128xf32, #tpu.memory_space<vmem_shared>> -> memref<640x128xf32, #tpu.memory_space<vmem_shared>>
      tpu.wait_dma2 semaphore(%run_scoped3A : memref<!tpu.dma_semaphore, #tpu.memory_space<semaphore_mem>>) src(%dma_wait3A_35 : memref<640x128xf32, #tpu.memory_space<vmem_shared>>) dst(%dma_wait3A_33 : memref<640x128xf32, #tpu.memory_space<hbm>>)
      tpu.yield
    }) : () -> ()
    return
  }
}

module attributes {stable_mosaic.version = 14 : i64} {
  func.func @_node_body(%arg0: i32, %arg1: memref<400x256xf32, #tpu.memory_space<vmem>>, %arg2: memref<1x256xf32, #tpu.memory_space<vmem>>, %arg3: memref<1x256xf32, #tpu.memory_space<vmem>>, %arg4: memref<256x256xf32, #tpu.memory_space<vmem>>, %arg5: memref<256x256xf32, #tpu.memory_space<vmem>>, %arg6: memref<256x256xf32, #tpu.memory_space<vmem>>, %arg7: memref<400x128xi32, #tpu.memory_space<vmem>>, %arg8: memref<400x256xi32, #tpu.memory_space<vmem>>) attributes {dimension_semantics = [#tpu.dimension_semantics<arbitrary>], iteration_bounds = array<i64: 25>, scalar_prefetch = 0 : i64, scratch_operands = 0 : i64, tpu.core_type = #tpu.core_type<tc>, window_params = [{transform_indices = @transform_0, window_bounds = array<i64: 400, 256>}, {pipeline_mode = #tpu.pipeline_mode<synchronous>, transform_indices = @transform_1, window_bounds = array<i64: 1, 256>}, {pipeline_mode = #tpu.pipeline_mode<synchronous>, transform_indices = @transform_2, window_bounds = array<i64: 1, 256>}, {pipeline_mode = #tpu.pipeline_mode<synchronous>, transform_indices = @transform_3, window_bounds = array<i64: 256, 256>}, {pipeline_mode = #tpu.pipeline_mode<synchronous>, transform_indices = @transform_4, window_bounds = array<i64: 256, 256>}, {pipeline_mode = #tpu.pipeline_mode<synchronous>, transform_indices = @transform_5, window_bounds = array<i64: 256, 256>}, {transform_indices = @transform_6, window_bounds = array<i64: 400, 128>}, {transform_indices = @transform_7, window_bounds = array<i64: 400, 256>}]} {
    %get3A = arith.constant 0 : index
    %get3A_0 = arith.constant 0 : index
    %get3A_1 = vector.load %arg1[%get3A, %get3A_0] : memref<400x256xf32, #tpu.memory_space<vmem>>, vector<400x256xf32>
    %get3A_2 = arith.constant 0 : index
    %get3A_3 = arith.constant 0 : index
    %get3A_4 = vector.load %arg2[%get3A_2, %get3A_3] : memref<1x256xf32, #tpu.memory_space<vmem>>, vector<1x256xf32>
    %get3A_5 = arith.constant 0 : index
    %get3A_6 = arith.constant 0 : index
    %get3A_7 = vector.load %arg3[%get3A_5, %get3A_6] : memref<1x256xf32, #tpu.memory_space<vmem>>, vector<1x256xf32>
    %reduce_sum3A = arith.constant dense<0.000000e+00> : vector<400xf32>
    %reduce_sum3A_8 = vector.multi_reduction <add>, %get3A_1, %reduce_sum3A [1] : vector<400x256xf32> to vector<400xf32>
    %broadcast_in_dim3A = vector.shape_cast %reduce_sum3A_8 : vector<400xf32> to vector<400x1xf32>
    %div3A = arith.constant 2.560000e+02 : f32
    %div3A_9 = vector.broadcast %div3A : f32 to vector<400x1xf32>
    %div3A_10 = arith.divf %broadcast_in_dim3A, %div3A_9 : vector<400x1xf32>
    %sub3A = vector.broadcast %div3A_10 : vector<400x1xf32> to vector<400x256xf32>
    %sub3A_11 = arith.subf %get3A_1, %sub3A : vector<400x256xf32>
    %integer_pow3A = arith.mulf %sub3A_11, %sub3A_11 : vector<400x256xf32>
    %reduce_sum3A_12 = arith.constant dense<0.000000e+00> : vector<400xf32>
    %reduce_sum3A_13 = vector.multi_reduction <add>, %integer_pow3A, %reduce_sum3A_12 [1] : vector<400x256xf32> to vector<400xf32>
    %broadcast_in_dim3A_14 = vector.shape_cast %reduce_sum3A_13 : vector<400xf32> to vector<400x1xf32>
    %div3A_15 = arith.constant 2.560000e+02 : f32
    %div3A_16 = vector.broadcast %div3A_15 : f32 to vector<400x1xf32>
    %div3A_17 = arith.divf %broadcast_in_dim3A_14, %div3A_16 : vector<400x1xf32>
    %sub3A_18 = vector.broadcast %div3A_10 : vector<400x1xf32> to vector<400x256xf32>
    %sub3A_19 = arith.subf %get3A_1, %sub3A_18 : vector<400x256xf32>
    %add3A = arith.constant 9.99999974E-6 : f32
    %add3A_20 = vector.broadcast %add3A : f32 to vector<400x1xf32>
    %add3A_21 = arith.addf %div3A_17, %add3A_20 : vector<400x1xf32>
    %sqrt3A = math.sqrt %add3A_21 : vector<400x1xf32>
    %div3A_22 = vector.broadcast %sqrt3A : vector<400x1xf32> to vector<400x256xf32>
    %div3A_23 = arith.divf %sub3A_19, %div3A_22 : vector<400x256xf32>
    %mul3A = vector.broadcast %get3A_4 : vector<1x256xf32> to vector<400x256xf32>
    %mul3A_24 = arith.mulf %div3A_23, %mul3A : vector<400x256xf32>
    %add3A_25 = vector.broadcast %get3A_7 : vector<1x256xf32> to vector<400x256xf32>
    %add3A_26 = arith.addf %mul3A_24, %add3A_25 : vector<400x256xf32>
    %get3A_27 = arith.constant 0 : index
    %get3A_28 = arith.constant 0 : index
    %get3A_29 = vector.load %arg4[%get3A_27, %get3A_28] : memref<256x256xf32, #tpu.memory_space<vmem>>, vector<256x256xf32>
    %convert_element_type3A = arith.truncf %add3A_26 : vector<400x256xf32> to vector<400x256xbf16>
    %convert_element_type3A_30 = arith.truncf %get3A_29 : vector<256x256xf32> to vector<256x256xbf16>
    %dot_general3A = arith.constant dense<0.000000e+00> : vector<400x256xf32>
    %dot_general3A_31 = tpu.matmul %convert_element_type3A, %convert_element_type3A_30, %dot_general3A {dimension_numbers = #tpu.dot_dimension_numbers<[1], [0], [0], [1], [0, 0, 1, 1], [], []>, transpose_lhs_hint = false} : vector<400x256xbf16>, vector<256x256xbf16>, vector<400x256xf32> -> vector<400x256xf32>
    %slice3A = vector.extract_strided_slice %dot_general3A_31 {offsets = [0, 0], sizes = [400, 128], strides = [1, 1]} : vector<400x256xf32> to vector<400x128xf32>
    %bitcast_convert_type3A = tpu.bitcast %slice3A : vector<400x128xf32> -> vector<400x128xi32>
    %slice3A_32 = vector.extract_strided_slice %dot_general3A_31 {offsets = [0, 128], sizes = [400, 128], strides = [1, 1]} : vector<400x256xf32> to vector<400x128xf32>
    %bitcast_convert_type3A_33 = tpu.bitcast %slice3A_32 : vector<400x128xf32> -> vector<400x128xi32>
    %add3A_34 = arith.constant 32768 : i32
    %add3A_35 = vector.broadcast %add3A_34 : i32 to vector<400x128xi32>
    %add3A_36 = arith.addi %bitcast_convert_type3A, %add3A_35 : vector<400x128xi32>
    %shift_right_logical3A = arith.constant 16 : i32
    %shift_right_logical3A_37 = vector.broadcast %shift_right_logical3A : i32 to vector<400x128xi32>
    %shift_right_logical3A_38 = arith.shrui %add3A_36, %shift_right_logical3A_37 : vector<400x128xi32>
    %add3A_39 = arith.constant 32768 : i32
    %add3A_40 = vector.broadcast %add3A_39 : i32 to vector<400x128xi32>
    %add3A_41 = arith.addi %bitcast_convert_type3A_33, %add3A_40 : vector<400x128xi32>
    %and3A = arith.constant -65536 : i32
    %and3A_42 = vector.broadcast %and3A : i32 to vector<400x128xi32>
    %and3A_43 = arith.andi %add3A_41, %and3A_42 : vector<400x128xi32>
    %or3A = arith.ori %and3A_43, %shift_right_logical3A_38 : vector<400x128xi32>
    %swap3A = arith.constant 0 : index
    %swap3A_44 = arith.constant 0 : index
    %swap3A_45 = vector.load %arg7[%swap3A, %swap3A_44] : memref<400x128xi32, #tpu.memory_space<vmem>>, vector<400x128xi32>
    tpu.vector_store %arg7[%swap3A, %swap3A_44], %or3A {strides = array<i32>} : memref<400x128xi32, #tpu.memory_space<vmem>>, vector<400x128xi32>,
    %get3A_46 = arith.constant 0 : index
    %get3A_47 = arith.constant 0 : index
    %get3A_48 = vector.load %arg5[%get3A_46, %get3A_47] : memref<256x256xf32, #tpu.memory_space<vmem>>, vector<256x256xf32>
    %convert_element_type3A_49 = arith.truncf %add3A_26 : vector<400x256xf32> to vector<400x256xbf16>
    %convert_element_type3A_50 = arith.truncf %get3A_48 : vector<256x256xf32> to vector<256x256xbf16>
    %dot_general3A_51 = arith.constant dense<0.000000e+00> : vector<400x256xf32>
    %dot_general3A_52 = tpu.matmul %convert_element_type3A_49, %convert_element_type3A_50, %dot_general3A_51 {dimension_numbers = #tpu.dot_dimension_numbers<[1], [0], [0], [1], [0, 0, 1, 1], [], []>, transpose_lhs_hint = false} : vector<400x256xbf16>, vector<256x256xbf16>, vector<400x256xf32> -> vector<400x256xf32>
    %slice3A_53 = vector.extract_strided_slice %dot_general3A_52 {offsets = [0, 0], sizes = [400, 128], strides = [1, 1]} : vector<400x256xf32> to vector<400x128xf32>
    %bitcast_convert_type3A_54 = tpu.bitcast %slice3A_53 : vector<400x128xf32> -> vector<400x128xi32>
    %slice3A_55 = vector.extract_strided_slice %dot_general3A_52 {offsets = [0, 128], sizes = [400, 128], strides = [1, 1]} : vector<400x256xf32> to vector<400x128xf32>
    %bitcast_convert_type3A_56 = tpu.bitcast %slice3A_55 : vector<400x128xf32> -> vector<400x128xi32>
    %add3A_57 = arith.constant 32768 : i32
    %add3A_58 = vector.broadcast %add3A_57 : i32 to vector<400x128xi32>
    %add3A_59 = arith.addi %bitcast_convert_type3A_54, %add3A_58 : vector<400x128xi32>
    %shift_right_logical3A_60 = arith.constant 16 : i32
    %shift_right_logical3A_61 = vector.broadcast %shift_right_logical3A_60 : i32 to vector<400x128xi32>
    %shift_right_logical3A_62 = arith.shrui %add3A_59, %shift_right_logical3A_61 : vector<400x128xi32>
    %add3A_63 = arith.constant 32768 : i32
    %add3A_64 = vector.broadcast %add3A_63 : i32 to vector<400x128xi32>
    %add3A_65 = arith.addi %bitcast_convert_type3A_56, %add3A_64 : vector<400x128xi32>
    %and3A_66 = arith.constant -65536 : i32
    %and3A_67 = vector.broadcast %and3A_66 : i32 to vector<400x128xi32>
    %and3A_68 = arith.andi %add3A_65, %and3A_67 : vector<400x128xi32>
    %or3A_69 = arith.ori %and3A_68, %shift_right_logical3A_62 : vector<400x128xi32>
    %swap3A_70 = arith.constant 0 : index
    %swap3A_71 = arith.constant 0 : index
    %swap3A_72 = vector.load %arg8[%swap3A_70, %swap3A_71] : memref<400x256xi32, #tpu.memory_space<vmem>>, vector<400x128xi32>
    tpu.vector_store %arg8[%swap3A_70, %swap3A_71], %or3A_69 {strides = array<i32>} : memref<400x256xi32, #tpu.memory_space<vmem>>, vector<400x128xi32>,
    %get3A_73 = arith.constant 0 : index
    %get3A_74 = arith.constant 0 : index
    %get3A_75 = vector.load %arg6[%get3A_73, %get3A_74] : memref<256x256xf32, #tpu.memory_space<vmem>>, vector<256x256xf32>
    %convert_element_type3A_76 = arith.truncf %add3A_26 : vector<400x256xf32> to vector<400x256xbf16>
    %convert_element_type3A_77 = arith.truncf %get3A_75 : vector<256x256xf32> to vector<256x256xbf16>
    %dot_general3A_78 = arith.constant dense<0.000000e+00> : vector<400x256xf32>
    %dot_general3A_79 = tpu.matmul %convert_element_type3A_76, %convert_element_type3A_77, %dot_general3A_78 {dimension_numbers = #tpu.dot_dimension_numbers<[1], [0], [0], [1], [0, 0, 1, 1], [], []>, transpose_lhs_hint = false} : vector<400x256xbf16>, vector<256x256xbf16>, vector<400x256xf32> -> vector<400x256xf32>
    %slice3A_80 = vector.extract_strided_slice %dot_general3A_79 {offsets = [0, 0], sizes = [400, 128], strides = [1, 1]} : vector<400x256xf32> to vector<400x128xf32>
    %bitcast_convert_type3A_81 = tpu.bitcast %slice3A_80 : vector<400x128xf32> -> vector<400x128xi32>
    %slice3A_82 = vector.extract_strided_slice %dot_general3A_79 {offsets = [0, 128], sizes = [400, 128], strides = [1, 1]} : vector<400x256xf32> to vector<400x128xf32>
    %bitcast_convert_type3A_83 = tpu.bitcast %slice3A_82 : vector<400x128xf32> -> vector<400x128xi32>
    %add3A_84 = arith.constant 32768 : i32
    %add3A_85 = vector.broadcast %add3A_84 : i32 to vector<400x128xi32>
    %add3A_86 = arith.addi %bitcast_convert_type3A_81, %add3A_85 : vector<400x128xi32>
    %shift_right_logical3A_87 = arith.constant 16 : i32
    %shift_right_logical3A_88 = vector.broadcast %shift_right_logical3A_87 : i32 to vector<400x128xi32>
    %shift_right_logical3A_89 = arith.shrui %add3A_86, %shift_right_logical3A_88 : vector<400x128xi32>
    %add3A_90 = arith.constant 32768 : i32
    %add3A_91 = vector.broadcast %add3A_90 : i32 to vector<400x128xi32>
    %add3A_92 = arith.addi %bitcast_convert_type3A_83, %add3A_91 : vector<400x128xi32>
    %and3A_93 = arith.constant -65536 : i32
    %and3A_94 = vector.broadcast %and3A_93 : i32 to vector<400x128xi32>
    %and3A_95 = arith.andi %add3A_92, %and3A_94 : vector<400x128xi32>
    %or3A_96 = arith.ori %and3A_95, %shift_right_logical3A_89 : vector<400x128xi32>
    %swap3A_97 = arith.constant 0 : index
    %swap3A_98 = arith.constant 128 : index
    %swap3A_99 = vector.load %arg8[%swap3A_97, %swap3A_98] : memref<400x256xi32, #tpu.memory_space<vmem>>, vector<400x128xi32>
    tpu.vector_store %arg8[%swap3A_97, %swap3A_98], %or3A_96 {strides = array<i32>} : memref<400x256xi32, #tpu.memory_space<vmem>>, vector<400x128xi32>,
    return
  }
  func.func @transform_0(%arg0: i32) -> (i32, i32) {
    %c0_i32 = arith.constant 0 : i32
    %c0_i32_0 = arith.constant 0 : i32
    return %arg0, %c0_i32 : i32, i32
  }
  func.func @transform_1(%arg0: i32) -> (i32, i32) {
    %c0_i32 = arith.constant 0 : i32
    %c0_i32_0 = arith.constant 0 : i32
    %c0_i32_1 = arith.constant 0 : i32
    return %c0_i32, %c0_i32_0 : i32, i32
  }
  func.func @transform_2(%arg0: i32) -> (i32, i32) {
    %c0_i32 = arith.constant 0 : i32
    %c0_i32_0 = arith.constant 0 : i32
    %c0_i32_1 = arith.constant 0 : i32
    return %c0_i32, %c0_i32_0 : i32, i32
  }
  func.func @transform_3(%arg0: i32) -> (i32, i32) {
    %c0_i32 = arith.constant 0 : i32
    %c0_i32_0 = arith.constant 0 : i32
    %c0_i32_1 = arith.constant 0 : i32
    return %c0_i32, %c0_i32_0 : i32, i32
  }
  func.func @transform_4(%arg0: i32) -> (i32, i32) {
    %c0_i32 = arith.constant 0 : i32
    %c0_i32_0 = arith.constant 0 : i32
    %c0_i32_1 = arith.constant 0 : i32
    return %c0_i32, %c0_i32_0 : i32, i32
  }
  func.func @transform_5(%arg0: i32) -> (i32, i32) {
    %c0_i32 = arith.constant 0 : i32
    %c0_i32_0 = arith.constant 0 : i32
    %c0_i32_1 = arith.constant 0 : i32
    return %c0_i32, %c0_i32_0 : i32, i32
  }
  func.func @transform_6(%arg0: i32) -> (i32, i32) {
    %c0_i32 = arith.constant 0 : i32
    %c0_i32_0 = arith.constant 0 : i32
    return %arg0, %c0_i32 : i32, i32
  }
  func.func @transform_7(%arg0: i32) -> (i32, i32) {
    %c0_i32 = arith.constant 0 : i32
    %c0_i32_0 = arith.constant 0 : i32
    return %arg0, %c0_i32 : i32, i32
  }
}

module attributes {stable_mosaic.version = 14 : i64} {
  func.func @_edge_body(%arg0: i32, %arg1: memref<4000x128xf32, #tpu.memory_space<vmem>>, %arg2: memref<4000x128xi32, #tpu.memory_space<vmem>>, %arg3: memref<4000x256xi32, #tpu.memory_space<vmem>>, %arg4: memref<128x256xf32, #tpu.memory_space<vmem>>, %arg5: memref<1x256xf32, #tpu.memory_space<vmem>>, %arg6: memref<256x256xf32, #tpu.memory_space<vmem>>, %arg7: memref<1x256xf32, #tpu.memory_space<vmem>>, %arg8: memref<4000x256xf32, #tpu.memory_space<vmem>>) attributes {dimension_semantics = [#tpu.dimension_semantics<arbitrary>], iteration_bounds = array<i64: 40>, scalar_prefetch = 0 : i64, scratch_operands = 0 : i64, tpu.core_type = #tpu.core_type<tc>, window_params = [{transform_indices = @transform_0, window_bounds = array<i64: 4000, 128>}, {transform_indices = @transform_1, window_bounds = array<i64: 4000, 128>}, {transform_indices = @transform_2, window_bounds = array<i64: 4000, 256>}, {pipeline_mode = #tpu.pipeline_mode<synchronous>, transform_indices = @transform_3, window_bounds = array<i64: 128, 256>}, {pipeline_mode = #tpu.pipeline_mode<synchronous>, transform_indices = @transform_4, window_bounds = array<i64: 1, 256>}, {pipeline_mode = #tpu.pipeline_mode<synchronous>, transform_indices = @transform_5, window_bounds = array<i64: 256, 256>}, {pipeline_mode = #tpu.pipeline_mode<synchronous>, transform_indices = @transform_6, window_bounds = array<i64: 1, 256>}, {transform_indices = @transform_7, window_bounds = array<i64: 4000, 256>}]} {
    %get3A = arith.constant 0 : index
    %get3A_0 = arith.constant 0 : index
    %get3A_1 = vector.load %arg1[%get3A, %get3A_0] : memref<4000x128xf32, #tpu.memory_space<vmem>>, vector<4000x128xf32>
    %get3A_2 = arith.constant 0 : index
    %get3A_3 = arith.constant 0 : index
    %get3A_4 = vector.load %arg4[%get3A_2, %get3A_3] : memref<128x256xf32, #tpu.memory_space<vmem>>, vector<128x256xf32>
    %convert_element_type3A = arith.truncf %get3A_1 : vector<4000x128xf32> to vector<4000x128xbf16>
    %convert_element_type3A_5 = arith.truncf %get3A_4 : vector<128x256xf32> to vector<128x256xbf16>
    %dot_general3A = arith.constant dense<0.000000e+00> : vector<4000x256xf32>
    %dot_general3A_6 = tpu.matmul %convert_element_type3A, %convert_element_type3A_5, %dot_general3A {dimension_numbers = #tpu.dot_dimension_numbers<[1], [0], [0], [1], [0, 0, 1, 1], [], []>, transpose_lhs_hint = false} : vector<4000x128xbf16>, vector<128x256xbf16>, vector<4000x256xf32> -> vector<4000x256xf32>
    %get3A_7 = arith.constant 0 : index
    %get3A_8 = arith.constant 0 : index
    %get3A_9 = vector.load %arg5[%get3A_7, %get3A_8] : memref<1x256xf32, #tpu.memory_space<vmem>>, vector<1x256xf32>
    %add3A = vector.broadcast %get3A_9 : vector<1x256xf32> to vector<4000x256xf32>
    %add3A_10 = arith.addf %dot_general3A_6, %add3A : vector<4000x256xf32>
    %logistic3A = arith.negf %add3A_10 : vector<4000x256xf32>
    %logistic3A_11 = math.exp %logistic3A : vector<4000x256xf32>
    %logistic3A_12 = arith.constant 1.000000e+00 : f32
    %logistic3A_13 = vector.broadcast %logistic3A_12 : f32 to vector<4000x256xf32>
    %logistic3A_14 = arith.addf %logistic3A_13, %logistic3A_11 : vector<4000x256xf32>
    %logistic3A_15 = arith.divf %logistic3A_13, %logistic3A_14 : vector<4000x256xf32>
    %mul3A = arith.mulf %add3A_10, %logistic3A_15 : vector<4000x256xf32>
    %get3A_16 = arith.constant 0 : index
    %get3A_17 = arith.constant 0 : index
    %get3A_18 = vector.load %arg6[%get3A_16, %get3A_17] : memref<256x256xf32, #tpu.memory_space<vmem>>, vector<256x256xf32>
    %convert_element_type3A_19 = arith.truncf %mul3A : vector<4000x256xf32> to vector<4000x256xbf16>
    %convert_element_type3A_20 = arith.truncf %get3A_18 : vector<256x256xf32> to vector<256x256xbf16>
    %dot_general3A_21 = arith.constant dense<0.000000e+00> : vector<4000x256xf32>
    %dot_general3A_22 = tpu.matmul %convert_element_type3A_19, %convert_element_type3A_20, %dot_general3A_21 {dimension_numbers = #tpu.dot_dimension_numbers<[1], [0], [0], [1], [0, 0, 1, 1], [], []>, transpose_lhs_hint = false} : vector<4000x256xbf16>, vector<256x256xbf16>, vector<4000x256xf32> -> vector<4000x256xf32>
    %get3A_23 = arith.constant 0 : index
    %get3A_24 = arith.constant 0 : index
    %get3A_25 = vector.load %arg7[%get3A_23, %get3A_24] : memref<1x256xf32, #tpu.memory_space<vmem>>, vector<1x256xf32>
    %add3A_26 = vector.broadcast %get3A_25 : vector<1x256xf32> to vector<4000x256xf32>
    %add3A_27 = arith.addf %dot_general3A_22, %add3A_26 : vector<4000x256xf32>
    %slice3A = vector.extract_strided_slice %add3A_27 {offsets = [0, 0], sizes = [4000, 128], strides = [1, 1]} : vector<4000x256xf32> to vector<4000x128xf32>
    %slice3A_28 = vector.extract_strided_slice %add3A_27 {offsets = [0, 128], sizes = [4000, 128], strides = [1, 1]} : vector<4000x256xf32> to vector<4000x128xf32>
    %get3A_29 = arith.constant 0 : index
    %get3A_30 = arith.constant 0 : index
    %get3A_31 = vector.load %arg2[%get3A_29, %get3A_30] : memref<4000x128xi32, #tpu.memory_space<vmem>>, vector<4000x128xi32>
    %shift_left3A = arith.constant 16 : i32
    %shift_left3A_32 = vector.broadcast %shift_left3A : i32 to vector<4000x128xi32>
    %shift_left3A_33 = arith.shli %get3A_31, %shift_left3A_32 : vector<4000x128xi32>
    %bitcast_convert_type3A = tpu.bitcast %shift_left3A_33 : vector<4000x128xi32> -> vector<4000x128xf32>
    %and3A = arith.constant -65536 : i32
    %and3A_34 = vector.broadcast %and3A : i32 to vector<4000x128xi32>
    %and3A_35 = arith.andi %get3A_31, %and3A_34 : vector<4000x128xi32>
    %bitcast_convert_type3A_36 = tpu.bitcast %and3A_35 : vector<4000x128xi32> -> vector<4000x128xf32>
    %get3A_37 = arith.constant 0 : index
    %get3A_38 = arith.constant 0 : index
    %get3A_39 = vector.load %arg3[%get3A_37, %get3A_38] : memref<4000x256xi32, #tpu.memory_space<vmem>>, vector<4000x128xi32>
    %shift_left3A_40 = arith.constant 16 : i32
    %shift_left3A_41 = vector.broadcast %shift_left3A_40 : i32 to vector<4000x128xi32>
    %shift_left3A_42 = arith.shli %get3A_39, %shift_left3A_41 : vector<4000x128xi32>
    %bitcast_convert_type3A_43 = tpu.bitcast %shift_left3A_42 : vector<4000x128xi32> -> vector<4000x128xf32>
    %and3A_44 = arith.constant -65536 : i32
    %and3A_45 = vector.broadcast %and3A_44 : i32 to vector<4000x128xi32>
    %and3A_46 = arith.andi %get3A_39, %and3A_45 : vector<4000x128xi32>
    %bitcast_convert_type3A_47 = tpu.bitcast %and3A_46 : vector<4000x128xi32> -> vector<4000x128xf32>
    %get3A_48 = arith.constant 0 : index
    %get3A_49 = arith.constant 128 : index
    %get3A_50 = vector.load %arg3[%get3A_48, %get3A_49] : memref<4000x256xi32, #tpu.memory_space<vmem>>, vector<4000x128xi32>
    %shift_left3A_51 = arith.constant 16 : i32
    %shift_left3A_52 = vector.broadcast %shift_left3A_51 : i32 to vector<4000x128xi32>
    %shift_left3A_53 = arith.shli %get3A_50, %shift_left3A_52 : vector<4000x128xi32>
    %bitcast_convert_type3A_54 = tpu.bitcast %shift_left3A_53 : vector<4000x128xi32> -> vector<4000x128xf32>
    %and3A_55 = arith.constant -65536 : i32
    %and3A_56 = vector.broadcast %and3A_55 : i32 to vector<4000x128xi32>
    %and3A_57 = arith.andi %get3A_50, %and3A_56 : vector<4000x128xi32>
    %bitcast_convert_type3A_58 = tpu.bitcast %and3A_57 : vector<4000x128xi32> -> vector<4000x128xf32>
    %mul3A_59 = arith.mulf %bitcast_convert_type3A, %bitcast_convert_type3A_43 : vector<4000x128xf32>
    %mul3A_60 = arith.mulf %mul3A_59, %slice3A : vector<4000x128xf32>
    %mul3A_61 = arith.mulf %bitcast_convert_type3A_36, %bitcast_convert_type3A_47 : vector<4000x128xf32>
    %mul3A_62 = arith.mulf %mul3A_61, %slice3A_28 : vector<4000x128xf32>
    %add3A_63 = arith.addf %mul3A_60, %mul3A_62 : vector<4000x128xf32>
    %iota3A = tpu.iota {dimensions = array<i32: 0>} : vector<128x8xi32>
    %iota3A_64 = tpu.iota {dimensions = array<i32: 1>} : vector<128x8xi32>
    %jit3A = arith.constant 16 : i32
    %div3A = vector.broadcast %jit3A : i32 to vector<128x8xi32>
    %div3A_65 = arith.divsi %iota3A, %div3A : vector<128x8xi32>
    %sign3A = arith.constant 0 : i32
    %sign3A_66 = vector.broadcast %sign3A : i32 to vector<128x8xi32>
    %sign3A_67 = arith.cmpi sgt, %iota3A, %sign3A_66 : vector<128x8xi32>
    %sign3A_68 = arith.extui %sign3A_67 : vector<128x8xi1> to vector<128x8xi32>
    %sign3A_69 = arith.constant 0 : i32
    %sign3A_70 = vector.broadcast %sign3A_69 : i32 to vector<128x8xi32>
    %sign3A_71 = arith.cmpi slt, %iota3A, %sign3A_70 : vector<128x8xi32>
    %sign3A_72 = arith.extui %sign3A_71 : vector<128x8xi1> to vector<128x8xi32>
    %sign3A_73 = arith.subi %sign3A_68, %sign3A_72 : vector<128x8xi32>
    %sign3A_74 = arith.constant 0 : i32
    %sign3A_75 = arith.cmpi sgt, %jit3A, %sign3A_74 : i32
    %sign3A_76 = arith.extui %sign3A_75 : i1 to i32
    %sign3A_77 = arith.constant 0 : i32
    %sign3A_78 = arith.cmpi slt, %jit3A, %sign3A_77 : i32
    %sign3A_79 = arith.extui %sign3A_78 : i1 to i32
    %sign3A_80 = arith.subi %sign3A_76, %sign3A_79 : i32
    %ne3A = vector.broadcast %sign3A_80 : i32 to vector<128x8xi32>
    %ne3A_81 = arith.cmpi ne, %sign3A_73, %ne3A : vector<128x8xi32>
    %rem3A = vector.broadcast %jit3A : i32 to vector<128x8xi32>
    %rem3A_82 = arith.remsi %iota3A, %rem3A : vector<128x8xi32>
    %ne3A_83 = arith.constant 0 : i32
    %ne3A_84 = vector.broadcast %ne3A_83 : i32 to vector<128x8xi32>
    %ne3A_85 = arith.cmpi ne, %rem3A_82, %ne3A_84 : vector<128x8xi32>
    %and3A_86 = arith.andi %ne3A_81, %ne3A_85 : vector<128x8xi1>
    %sub3A = arith.constant 1 : i32
    %sub3A_87 = vector.broadcast %sub3A : i32 to vector<128x8xi32>
    %sub3A_88 = arith.subi %div3A_65, %sub3A_87 : vector<128x8xi32>
    %select_n3A = arith.select %and3A_86, %sub3A_88, %div3A_65 : vector<128x8xi1>, vector<128x8xi32>
    %eq3A = arith.cmpi eq, %select_n3A, %iota3A_64 : vector<128x8xi32>
    %convert_element_type3A_89 = arith.extui %eq3A : vector<128x8xi1> to vector<128x8xi32>
    %convert_element_type3A_90 = arith.sitofp %convert_element_type3A_89 : vector<128x8xi32> to vector<128x8xf32>
    %dot_general3A_91 = arith.constant dense<0.000000e+00> : vector<4000x8xf32>
    %dot_general3A_92 = tpu.matmul %add3A_63, %convert_element_type3A_90, %dot_general3A_91 {dimension_numbers = #tpu.dot_dimension_numbers<[1], [0], [0], [1], [0, 0, 1, 1], [], []>, transpose_lhs_hint = false} : vector<4000x128xf32>, vector<128x8xf32>, vector<4000x8xf32> -> vector<4000x8xf32>
    %mul3A_93 = arith.constant 0.176776692 : f32
    %mul3A_94 = vector.broadcast %mul3A_93 : f32 to vector<4000x8xf32>
    %mul3A_95 = arith.mulf %dot_general3A_92, %mul3A_94 : vector<4000x8xf32>
    %logistic3A_96 = arith.negf %mul3A_95 : vector<4000x8xf32>
    %logistic3A_97 = math.exp %logistic3A_96 : vector<4000x8xf32>
    %logistic3A_98 = arith.constant 1.000000e+00 : f32
    %logistic3A_99 = vector.broadcast %logistic3A_98 : f32 to vector<4000x8xf32>
    %logistic3A_100 = arith.addf %logistic3A_99, %logistic3A_97 : vector<4000x8xf32>
    %logistic3A_101 = arith.divf %logistic3A_99, %logistic3A_100 : vector<4000x8xf32>
    %transpose3A = tpu.transpose %convert_element_type3A_90, [1, 0] : vector<128x8xf32> -> vector<8x128xf32>
    %dot_general3A_102 = arith.constant dense<0.000000e+00> : vector<4000x128xf32>
    %dot_general3A_103 = tpu.matmul %logistic3A_101, %transpose3A, %dot_general3A_102 {dimension_numbers = #tpu.dot_dimension_numbers<[1], [0], [0], [1], [0, 0, 1, 1], [], []>, transpose_lhs_hint = false} : vector<4000x8xf32>, vector<8x128xf32>, vector<4000x128xf32> -> vector<4000x128xf32>
    %mul3A_104 = arith.mulf %dot_general3A_103, %bitcast_convert_type3A_54 : vector<4000x128xf32>
    %mul3A_105 = arith.mulf %mul3A_104, %slice3A : vector<4000x128xf32>
    %swap3A = arith.constant 0 : index
    %swap3A_106 = arith.constant 0 : index
    %swap3A_107 = vector.load %arg8[%swap3A, %swap3A_106] : memref<4000x256xf32, #tpu.memory_space<vmem>>, vector<4000x128xf32>
    tpu.vector_store %arg8[%swap3A, %swap3A_106], %mul3A_105 {strides = array<i32>} : memref<4000x256xf32, #tpu.memory_space<vmem>>, vector<4000x128xf32>,
    %mul3A_108 = arith.mulf %dot_general3A_103, %bitcast_convert_type3A_58 : vector<4000x128xf32>
    %mul3A_109 = arith.mulf %mul3A_108, %slice3A_28 : vector<4000x128xf32>
    %swap3A_110 = arith.constant 0 : index
    %swap3A_111 = arith.constant 128 : index
    %swap3A_112 = vector.load %arg8[%swap3A_110, %swap3A_111] : memref<4000x256xf32, #tpu.memory_space<vmem>>, vector<4000x128xf32>
    tpu.vector_store %arg8[%swap3A_110, %swap3A_111], %mul3A_109 {strides = array<i32>} : memref<4000x256xf32, #tpu.memory_space<vmem>>, vector<4000x128xf32>,
    return
  }
  func.func @transform_0(%arg0: i32) -> (i32, i32) {
    %c0_i32 = arith.constant 0 : i32
    %c0_i32_0 = arith.constant 0 : i32
    return %arg0, %c0_i32 : i32, i32
  }
  func.func @transform_1(%arg0: i32) -> (i32, i32) {
    %c0_i32 = arith.constant 0 : i32
    %c0_i32_0 = arith.constant 0 : i32
    return %arg0, %c0_i32 : i32, i32
  }
  func.func @transform_2(%arg0: i32) -> (i32, i32) {
    %c0_i32 = arith.constant 0 : i32
    %c0_i32_0 = arith.constant 0 : i32
    return %arg0, %c0_i32 : i32, i32
  }
  func.func @transform_3(%arg0: i32) -> (i32, i32) {
    %c0_i32 = arith.constant 0 : i32
    %c0_i32_0 = arith.constant 0 : i32
    %c0_i32_1 = arith.constant 0 : i32
    return %c0_i32, %c0_i32_0 : i32, i32
  }
  func.func @transform_4(%arg0: i32) -> (i32, i32) {
    %c0_i32 = arith.constant 0 : i32
    %c0_i32_0 = arith.constant 0 : i32
    %c0_i32_1 = arith.constant 0 : i32
    return %c0_i32, %c0_i32_0 : i32, i32
  }
  func.func @transform_5(%arg0: i32) -> (i32, i32) {
    %c0_i32 = arith.constant 0 : i32
    %c0_i32_0 = arith.constant 0 : i32
    %c0_i32_1 = arith.constant 0 : i32
    return %c0_i32, %c0_i32_0 : i32, i32
  }
  func.func @transform_6(%arg0: i32) -> (i32, i32) {
    %c0_i32 = arith.constant 0 : i32
    %c0_i32_0 = arith.constant 0 : i32
    %c0_i32_1 = arith.constant 0 : i32
    return %c0_i32, %c0_i32_0 : i32, i32
  }
  func.func @transform_7(%arg0: i32) -> (i32, i32) {
    %c0_i32 = arith.constant 0 : i32
    %c0_i32_0 = arith.constant 0 : i32
    return %arg0, %c0_i32 : i32, i32
  }
}

module attributes {stable_mosaic.version = 14 : i64} {
  func.func @_final_body(%arg0: i32, %arg1: memref<400x256xf32, #tpu.memory_space<vmem>>, %arg2: memref<400x256xf32, #tpu.memory_space<vmem>>, %arg3: memref<256x256xf32, #tpu.memory_space<vmem>>, %arg4: memref<1x256xf32, #tpu.memory_space<vmem>>, %arg5: memref<1x256xf32, #tpu.memory_space<vmem>>, %arg6: memref<1x256xf32, #tpu.memory_space<vmem>>, %arg7: memref<256x1024xf32, #tpu.memory_space<vmem>>, %arg8: memref<1x1024xf32, #tpu.memory_space<vmem>>, %arg9: memref<1024x256xf32, #tpu.memory_space<vmem>>, %arg10: memref<1x256xf32, #tpu.memory_space<vmem>>, %arg11: memref<400x256xf32, #tpu.memory_space<vmem>>) attributes {dimension_semantics = [#tpu.dimension_semantics<arbitrary>], iteration_bounds = array<i64: 25>, scalar_prefetch = 0 : i64, scratch_operands = 0 : i64, tpu.core_type = #tpu.core_type<tc>, window_params = [{transform_indices = @transform_0, window_bounds = array<i64: 400, 256>}, {transform_indices = @transform_1, window_bounds = array<i64: 400, 256>}, {pipeline_mode = #tpu.pipeline_mode<synchronous>, transform_indices = @transform_2, window_bounds = array<i64: 256, 256>}, {pipeline_mode = #tpu.pipeline_mode<synchronous>, transform_indices = @transform_3, window_bounds = array<i64: 1, 256>}, {pipeline_mode = #tpu.pipeline_mode<synchronous>, transform_indices = @transform_4, window_bounds = array<i64: 1, 256>}, {pipeline_mode = #tpu.pipeline_mode<synchronous>, transform_indices = @transform_5, window_bounds = array<i64: 1, 256>}, {pipeline_mode = #tpu.pipeline_mode<synchronous>, transform_indices = @transform_6, window_bounds = array<i64: 256, 1024>}, {pipeline_mode = #tpu.pipeline_mode<synchronous>, transform_indices = @transform_7, window_bounds = array<i64: 1, 1024>}, {pipeline_mode = #tpu.pipeline_mode<synchronous>, transform_indices = @transform_8, window_bounds = array<i64: 1024, 256>}, {pipeline_mode = #tpu.pipeline_mode<synchronous>, transform_indices = @transform_9, window_bounds = array<i64: 1, 256>}, {transform_indices = @transform_10, window_bounds = array<i64: 400, 256>}]} {
    %get3A = arith.constant 0 : index
    %get3A_0 = arith.constant 0 : index
    %get3A_1 = vector.load %arg1[%get3A, %get3A_0] : memref<400x256xf32, #tpu.memory_space<vmem>>, vector<400x256xf32>
    %get3A_2 = arith.constant 0 : index
    %get3A_3 = arith.constant 0 : index
    %get3A_4 = vector.load %arg2[%get3A_2, %get3A_3] : memref<400x256xf32, #tpu.memory_space<vmem>>, vector<400x256xf32>
    %get3A_5 = arith.constant 0 : index
    %get3A_6 = arith.constant 0 : index
    %get3A_7 = vector.load %arg3[%get3A_5, %get3A_6] : memref<256x256xf32, #tpu.memory_space<vmem>>, vector<256x256xf32>
    %convert_element_type3A = arith.truncf %get3A_4 : vector<400x256xf32> to vector<400x256xbf16>
    %convert_element_type3A_8 = arith.truncf %get3A_7 : vector<256x256xf32> to vector<256x256xbf16>
    %dot_general3A = arith.constant dense<0.000000e+00> : vector<400x256xf32>
    %dot_general3A_9 = tpu.matmul %convert_element_type3A, %convert_element_type3A_8, %dot_general3A {dimension_numbers = #tpu.dot_dimension_numbers<[1], [0], [0], [1], [0, 0, 1, 1], [], []>, transpose_lhs_hint = false} : vector<400x256xbf16>, vector<256x256xbf16>, vector<400x256xf32> -> vector<400x256xf32>
    %add3A = arith.addf %get3A_1, %dot_general3A_9 : vector<400x256xf32>
    %get3A_10 = arith.constant 0 : index
    %get3A_11 = arith.constant 0 : index
    %get3A_12 = vector.load %arg4[%get3A_10, %get3A_11] : memref<1x256xf32, #tpu.memory_space<vmem>>, vector<1x256xf32>
    %add3A_13 = vector.broadcast %get3A_12 : vector<1x256xf32> to vector<400x256xf32>
    %add3A_14 = arith.addf %add3A, %add3A_13 : vector<400x256xf32>
    %get3A_15 = arith.constant 0 : index
    %get3A_16 = arith.constant 0 : index
    %get3A_17 = vector.load %arg5[%get3A_15, %get3A_16] : memref<1x256xf32, #tpu.memory_space<vmem>>, vector<1x256xf32>
    %get3A_18 = arith.constant 0 : index
    %get3A_19 = arith.constant 0 : index
    %get3A_20 = vector.load %arg6[%get3A_18, %get3A_19] : memref<1x256xf32, #tpu.memory_space<vmem>>, vector<1x256xf32>
    %reduce_sum3A = arith.constant dense<0.000000e+00> : vector<400xf32>
    %reduce_sum3A_21 = vector.multi_reduction <add>, %add3A_14, %reduce_sum3A [1] : vector<400x256xf32> to vector<400xf32>
    %broadcast_in_dim3A = vector.shape_cast %reduce_sum3A_21 : vector<400xf32> to vector<400x1xf32>
    %div3A = arith.constant 2.560000e+02 : f32
    %div3A_22 = vector.broadcast %div3A : f32 to vector<400x1xf32>
    %div3A_23 = arith.divf %broadcast_in_dim3A, %div3A_22 : vector<400x1xf32>
    %sub3A = vector.broadcast %div3A_23 : vector<400x1xf32> to vector<400x256xf32>
    %sub3A_24 = arith.subf %add3A_14, %sub3A : vector<400x256xf32>
    %integer_pow3A = arith.mulf %sub3A_24, %sub3A_24 : vector<400x256xf32>
    %reduce_sum3A_25 = arith.constant dense<0.000000e+00> : vector<400xf32>
    %reduce_sum3A_26 = vector.multi_reduction <add>, %integer_pow3A, %reduce_sum3A_25 [1] : vector<400x256xf32> to vector<400xf32>
    %broadcast_in_dim3A_27 = vector.shape_cast %reduce_sum3A_26 : vector<400xf32> to vector<400x1xf32>
    %div3A_28 = arith.constant 2.560000e+02 : f32
    %div3A_29 = vector.broadcast %div3A_28 : f32 to vector<400x1xf32>
    %div3A_30 = arith.divf %broadcast_in_dim3A_27, %div3A_29 : vector<400x1xf32>
    %sub3A_31 = vector.broadcast %div3A_23 : vector<400x1xf32> to vector<400x256xf32>
    %sub3A_32 = arith.subf %add3A_14, %sub3A_31 : vector<400x256xf32>
    %add3A_33 = arith.constant 9.99999974E-6 : f32
    %add3A_34 = vector.broadcast %add3A_33 : f32 to vector<400x1xf32>
    %add3A_35 = arith.addf %div3A_30, %add3A_34 : vector<400x1xf32>
    %sqrt3A = math.sqrt %add3A_35 : vector<400x1xf32>
    %div3A_36 = vector.broadcast %sqrt3A : vector<400x1xf32> to vector<400x256xf32>
    %div3A_37 = arith.divf %sub3A_32, %div3A_36 : vector<400x256xf32>
    %mul3A = vector.broadcast %get3A_17 : vector<1x256xf32> to vector<400x256xf32>
    %mul3A_38 = arith.mulf %div3A_37, %mul3A : vector<400x256xf32>
    %add3A_39 = vector.broadcast %get3A_20 : vector<1x256xf32> to vector<400x256xf32>
    %add3A_40 = arith.addf %mul3A_38, %add3A_39 : vector<400x256xf32>
    %get3A_41 = arith.constant 0 : index
    %get3A_42 = arith.constant 0 : index
    %get3A_43 = vector.load %arg7[%get3A_41, %get3A_42] : memref<256x1024xf32, #tpu.memory_space<vmem>>, vector<256x1024xf32>
    %convert_element_type3A_44 = arith.truncf %add3A_40 : vector<400x256xf32> to vector<400x256xbf16>
    %convert_element_type3A_45 = arith.truncf %get3A_43 : vector<256x1024xf32> to vector<256x1024xbf16>
    %dot_general3A_46 = arith.constant dense<0.000000e+00> : vector<400x1024xf32>
    %dot_general3A_47 = tpu.matmul %convert_element_type3A_44, %convert_element_type3A_45, %dot_general3A_46 {dimension_numbers = #tpu.dot_dimension_numbers<[1], [0], [0], [1], [0, 0, 1, 1], [], []>, transpose_lhs_hint = false} : vector<400x256xbf16>, vector<256x1024xbf16>, vector<400x1024xf32> -> vector<400x1024xf32>
    %get3A_48 = arith.constant 0 : index
    %get3A_49 = arith.constant 0 : index
    %get3A_50 = vector.load %arg8[%get3A_48, %get3A_49] : memref<1x1024xf32, #tpu.memory_space<vmem>>, vector<1x1024xf32>
    %add3A_51 = vector.broadcast %get3A_50 : vector<1x1024xf32> to vector<400x1024xf32>
    %add3A_52 = arith.addf %dot_general3A_47, %add3A_51 : vector<400x1024xf32>
    %mul3A_53 = arith.constant 5.000000e-01 : f32
    %mul3A_54 = vector.broadcast %mul3A_53 : f32 to vector<400x1024xf32>
    %mul3A_55 = arith.mulf %mul3A_54, %add3A_52 : vector<400x1024xf32>
    %mul3A_56 = arith.constant 0.707106769 : f32
    %mul3A_57 = vector.broadcast %mul3A_56 : f32 to vector<400x1024xf32>
    %mul3A_58 = arith.mulf %add3A_52, %mul3A_57 : vector<400x1024xf32>
    %erf3A = math.erf %mul3A_58 : vector<400x1024xf32>
    %add3A_59 = arith.constant 1.000000e+00 : f32
    %add3A_60 = vector.broadcast %add3A_59 : f32 to vector<400x1024xf32>
    %add3A_61 = arith.addf %add3A_60, %erf3A : vector<400x1024xf32>
    %mul3A_62 = arith.mulf %mul3A_55, %add3A_61 : vector<400x1024xf32>
    %get3A_63 = arith.constant 0 : index
    %get3A_64 = arith.constant 0 : index
    %get3A_65 = vector.load %arg9[%get3A_63, %get3A_64] : memref<1024x256xf32, #tpu.memory_space<vmem>>, vector<1024x256xf32>
    %convert_element_type3A_66 = arith.truncf %mul3A_62 : vector<400x1024xf32> to vector<400x1024xbf16>
    %convert_element_type3A_67 = arith.truncf %get3A_65 : vector<1024x256xf32> to vector<1024x256xbf16>
    %dot_general3A_68 = arith.constant dense<0.000000e+00> : vector<400x256xf32>
    %dot_general3A_69 = tpu.matmul %convert_element_type3A_66, %convert_element_type3A_67, %dot_general3A_68 {dimension_numbers = #tpu.dot_dimension_numbers<[1], [0], [0], [1], [0, 0, 1, 1], [], []>, transpose_lhs_hint = false} : vector<400x1024xbf16>, vector<1024x256xbf16>, vector<400x256xf32> -> vector<400x256xf32>
    %get3A_70 = arith.constant 0 : index
    %get3A_71 = arith.constant 0 : index
    %get3A_72 = vector.load %arg10[%get3A_70, %get3A_71] : memref<1x256xf32, #tpu.memory_space<vmem>>, vector<1x256xf32>
    %add3A_73 = vector.broadcast %get3A_72 : vector<1x256xf32> to vector<400x256xf32>
    %add3A_74 = arith.addf %dot_general3A_69, %add3A_73 : vector<400x256xf32>
    %add3A_75 = arith.addf %add3A_14, %add3A_74 : vector<400x256xf32>
    %swap3A = arith.constant 0 : index
    %swap3A_76 = arith.constant 0 : index
    %swap3A_77 = vector.load %arg11[%swap3A, %swap3A_76] : memref<400x256xf32, #tpu.memory_space<vmem>>, vector<400x256xf32>
    tpu.vector_store %arg11[%swap3A, %swap3A_76], %add3A_75 {strides = array<i32>} : memref<400x256xf32, #tpu.memory_space<vmem>>, vector<400x256xf32>,
    return
  }
  func.func @transform_0(%arg0: i32) -> (i32, i32) {
    %c0_i32 = arith.constant 0 : i32
    %c0_i32_0 = arith.constant 0 : i32
    return %arg0, %c0_i32 : i32, i32
  }
  func.func @transform_1(%arg0: i32) -> (i32, i32) {
    %c0_i32 = arith.constant 0 : i32
    %c0_i32_0 = arith.constant 0 : i32
    return %arg0, %c0_i32 : i32, i32
  }
  func.func @transform_2(%arg0: i32) -> (i32, i32) {
    %c0_i32 = arith.constant 0 : i32
    %c0_i32_0 = arith.constant 0 : i32
    %c0_i32_1 = arith.constant 0 : i32
    return %c0_i32, %c0_i32_0 : i32, i32
  }
  func.func @transform_3(%arg0: i32) -> (i32, i32) {
    %c0_i32 = arith.constant 0 : i32
    %c0_i32_0 = arith.constant 0 : i32
    %c0_i32_1 = arith.constant 0 : i32
    return %c0_i32, %c0_i32_0 : i32, i32
  }
  func.func @transform_4(%arg0: i32) -> (i32, i32) {
    %c0_i32 = arith.constant 0 : i32
    %c0_i32_0 = arith.constant 0 : i32
    %c0_i32_1 = arith.constant 0 : i32
    return %c0_i32, %c0_i32_0 : i32, i32
  }
  func.func @transform_5(%arg0: i32) -> (i32, i32) {
    %c0_i32 = arith.constant 0 : i32
    %c0_i32_0 = arith.constant 0 : i32
    %c0_i32_1 = arith.constant 0 : i32
    return %c0_i32, %c0_i32_0 : i32, i32
  }
  func.func @transform_6(%arg0: i32) -> (i32, i32) {
    %c0_i32 = arith.constant 0 : i32
    %c0_i32_0 = arith.constant 0 : i32
    %c0_i32_1 = arith.constant 0 : i32
    return %c0_i32, %c0_i32_0 : i32, i32
  }
  func.func @transform_7(%arg0: i32) -> (i32, i32) {
    %c0_i32 = arith.constant 0 : i32
    %c0_i32_0 = arith.constant 0 : i32
    %c0_i32_1 = arith.constant 0 : i32
    return %c0_i32, %c0_i32_0 : i32, i32
  }
  func.func @transform_8(%arg0: i32) -> (i32, i32) {
    %c0_i32 = arith.constant 0 : i32
    %c0_i32_0 = arith.constant 0 : i32
    %c0_i32_1 = arith.constant 0 : i32
    return %c0_i32, %c0_i32_0 : i32, i32
  }
  func.func @transform_9(%arg0: i32) -> (i32, i32) {
    %c0_i32 = arith.constant 0 : i32
    %c0_i32_0 = arith.constant 0 : i32
    %c0_i32_1 = arith.constant 0 : i32
    return %c0_i32, %c0_i32_0 : i32, i32
  }
  func.func @transform_10(%arg0: i32) -> (i32, i32) {
    %c0_i32 = arith.constant 0 : i32
    %c0_i32_0 = arith.constant 0 : i32
    return %arg0, %c0_i32 : i32, i32
  }
}

</mosaic_0001>

<sc_bundles>
// kernel: kernel.10.cloned.1.call-start
scs
__scs_entry_jumppad:
0x0: {  	(pc) =	sbr.rel $0x88, $3  }
0x1: {  	(tag) =	ssettag $0x0;
	lr =	simm.s32 $0x1  }
0x2: {  	[smem:$0x3F8D] =	sst lr;
	_ =	strace $0xD0000000  }
0x3: {  	_ = 	snop  }
0x4: {  	_ = 	snop  }
0x5: {  	_ = 	snop  }
0x6: {  	_ = 	snop  }
0x7: {  	_ = 	snop  }
__scs_overlays_trampoline_lowered:
0x8: {  	[smem:$0x3F9C] =	sst s0  }
0x9: {  	[smem:$0x3F9D] =	sst s1  }
0xa: {  	[smem:$0x3F9E] =	sst s2  }
0xb: {  	[smem:$0x3F9F] =	sst s3  }
0xc: {  	[smem:$0x3FA0] =	sst s4  }
0xd: {  	[smem:$0x3FA1] =	sst s5  }
0xe: {  	[smem:$0x3FA2] =	sst s6  }
0xf: {  	[smem:$0x3FA3] =	sst s7  }
0x10: {  	[smem:$0x3FA4] =	sst s8  }
0x11: {  	[smem:$0x3FA5] =	sst s9;
	s0 =	simm.s32 @!p0 $0x0  }
0x12: {  	s1 =	sld [smem:$0x3F8B];
	s0 =	simm.s32 @p0 $0x1  }
0x13: {  	[smem:$0x3FA6] =	sst s0;
	s0 =	simm.s32 @!p1 $0x0  }
0x14: {  	s2 =	sld [smem:$0x3F8A];
	s0 =	simm.s32 @p1 $0x1  }
0x15: {  	[smem:$0x3FA7] =	sst s0;
	s0 =	simm.s32 @!p2 $0x0  }
0x16: {  	s3 =	sld [smem:$0x3FDB];
	s0 =	simm.s32 @p2 $0x1  }
0x17: {  	s4 =	simm.s32 $0x1BF5;
	[smem:$0x3FA9] =	sst s0  }
0x18: {  	s0 =	sld [smem:$0x3F8C];
	_ =	swait.ge [sflag:s4], $0x0  }
0x19: {  	s7 =	sld [smem:$0x3F8D]  }
0x1a: {  	s8 =	sadd.s32 $0xFFFFE003, lr  }
0x1b: {  	s9 =	sadd.s32 $0xFFFFFEF7, lr;
	s5 =	simm.s32 $0xFFFFFFFF;
	p2 =	slt.u32 s8, $0xFFFFF086  }
0x1c: {  	p1 =	slt.u32 s9, $0xF7A;
	s5 =	simm.s32 @!p2 $0x0  }
0x1d: {  	s5 =	simm.s32 @p1 $0x1;
	p0 =	seq.s32 s7, s2  }
0x1e: {  	s7 =	smul.u32 @!p0 $0xF7A, s2;
	p2 =	seq.s32 @!p0 s5, $0x0  }
0x1f: {  	s9 =	smul.u32 $0xF7A, s1;
	s8 =	simm.s32 @!p0 $0x1BF5;
	p2 =	por !p2, p0  }
0x20: {  	[sflag:s8] =	ssyncset.s32 @!p0 $0xFFFFF086;
	s6 =	sadd.s32 @!p0 s3, s7;
	s7 =	simm.s32 @!p0 $0x108  }
0x21: {  	s3 =	sadd.s32 s3, s9;
	s6 =	sadd.s32 @!p0 $0x88, s6;
	s7 =	simm.s32 @p2 $0x1082  }
0x22: {  	[simem:s7], [sflag:s8] =	dma.local @!p0 [hbm:s6], $0xF7A  }
0x23: {  	s9 =	sor.u32 $0xD0000000, s2;
	s6 =	simm.s32 $0x108;
	_ =	swait.ge @!p0 [sflag:s8], $0x0  }
0x24: {  	s3 =	sadd.s32 $0x88, s3;
	s6 =	simm.s32 @!p1 $0x1082;
	[sflag:s4] =	ssyncset.s32 $0xFFFFF086  }
0x25: {  	[simem:s6], [sflag:s4] =	dma.local [hbm:s3], $0xF7A  }
0x26: {  	[smem:$0x3F8D] =	sst s1;
	(tag) =	ssettag s2;
	_ =	strace s9  }
0x27: {  	s1 =	sld [smem:$0x3F9D]  }
0x28: {  	s2 =	sld [smem:$0x3F9E]  }
0x29: {  	s4 =	sld [smem:$0x3FA0]  }
0x2a: {  	p0 =	seq.s32 s5, $0x0;
	s5 =	sld [smem:$0x3FA1]  }
0x2b: {  	s6 =	sld [smem:$0x3FA2]  }
0x2c: {  	s7 =	sld [smem:$0x3FA3]  }
0x2d: {  	s3 =	simm.s32 $0x108;
	s8 =	sld [smem:$0x3FA4]  }
0x2e: {  	s3 =	simm.s32 @!p0 $0x1082;
	s9 =	sld [smem:$0x3FA5]  }
0x2f: {  	lr =	sadd.s32 s0, s3;
	s0 =	sld [smem:$0x3F9C]  }
0x30: {  	s3 =	sld [smem:$0x3F9F]  }
0x31: {  	[smem:$0x3FA8] =	sst s10  }
0x32: {  	s10 =	sld [smem:$0x3FA6];
	_ =	sdelay $0x3  }
0x33: {  	p0 =	seq.s32 s10, $0x1;
	s10 =	sld [smem:$0x3FA8];
	_ =	sdelay $0x3  }
0x34: {  	[smem:$0x3FA8] =	sst s10  }
0x35: {  	s10 =	sld [smem:$0x3FA7];
	_ =	sdelay $0x3  }
0x36: {  	p1 =	seq.s32 s10, $0x1;
	s10 =	sld [smem:$0x3FA8];
	_ =	sdelay $0x3  }
0x37: {  	[smem:$0x3FA8] =	sst s10  }
0x38: {  	s10 =	sld [smem:$0x3FA9]  }
0x39: {  	_ = 	snop;
	(pc) =	sbr.ind lr, $3  }
0x3a: {  	_ = 	snop  }
0x3b: {  	_ = 	snop  }
0x3c: {  	p2 =	seq.s32 s10, $0x1;
	s10 =	sld [smem:$0x3FA8]  }
0x3d: {  	_ =	shalt  }
0x3e: {  	_ =	shalt  }
0x3f: {  	_ =	shalt  }
0x40: {  	_ =	shalt  }
0x41: {  	_ =	shalt  }
0x42: {  	_ =	shalt  }
0x43: {  	_ =	shalt  }
0x44: {  	_ =	shalt  }
0x45: {  	_ =	shalt  }
0x46: {  	_ =	shalt  }
0x47: {  	_ =	shalt  }
0x48: {  	_ =	shalt  }
0x49: {  	_ =	shalt  }
0x4a: {  	_ =	shalt  }
0x4b: {  	_ =	shalt  }
0x4c: {  	_ =	shalt  }
0x4d: {  	_ =	shalt  }
0x4e: {  	_ =	shalt  }
0x4f: {  	_ =	shalt  }
0x50: {  	_ =	shalt  }
0x51: {  	_ =	shalt  }
0x52: {  	_ =	shalt  }
0x53: {  	_ =	shalt  }
0x54: {  	_ =	shalt  }
0x55: {  	_ =	shalt  }
0x56: {  	_ =	shalt  }
0x57: {  	_ =	shalt  }
0x58: {  	_ =	shalt  }
0x59: {  	_ =	shalt  }
0x5a: {  	_ =	shalt  }
0x5b: {  	_ =	shalt  }
0x5c: {  	_ =	shalt  }
0x5d: {  	_ =	shalt  }
0x5e: {  	_ =	shalt  }
0x5f: {  	_ =	shalt  }
0x60: {  	_ =	shalt  }
0x61: {  	_ =	shalt  }
0x62: {  	_ =	shalt  }
0x63: {  	_ =	shalt  }
0x64: {  	_ =	shalt  }
0x65: {  	_ =	shalt  }
0x66: {  	_ =	shalt  }
0x67: {  	_ =	shalt  }
0x68: {  	_ =	shalt  }
0x69: {  	_ =	shalt  }
0x6a: {  	_ =	shalt  }
0x6b: {  	_ =	shalt  }
0x6c: {  	_ =	shalt  }
0x6d: {  	_ =	shalt  }
0x6e: {  	_ =	shalt  }
0x6f: {  	_ =	shalt  }
0x70: {  	_ =	shalt  }
0x71: {  	_ =	shalt  }
0x72: {  	_ =	shalt  }
0x73: {  	_ =	shalt  }
0x74: {  	_ =	shalt  }
0x75: {  	_ =	shalt  }
0x76: {  	_ =	shalt  }
0x77: {  	_ =	shalt  }
0x78: {  	_ =	shalt  }
0x79: {  	_ =	shalt  }
0x7a: {  	_ =	shalt  }
0x7b: {  	_ =	shalt  }
0x7c: {  	_ =	shalt  }
0x7d: {  	_ =	shalt  }
0x7e: {  	_ =	shalt  }
0x7f: {  	_ =	shalt  }
0x80: {  	_ =	shalt  }
0x81: {  	_ =	shalt  }
0x82: {  	_ =	shalt  }
0x83: {  	_ =	shalt  }
0x84: {  	_ =	shalt  }
0x85: {  	_ =	shalt  }
0x86: {  	_ =	shalt  }
0x87: {  	_ =	shalt  }
.Lfunc_end0:
.L_simem_size_0:
called_computation.1_lowered:
.L_overlay_start_0:
0x88: {  	s2 =	sld [smem:$0x3FD9]  }
0x89: {  	s3 =	sld [smem:$0x3FFE];
	_ =	sdelay $0x1  }
0x8a: {  	s1 =	srdreg.scid  }
0x8b: {  	s0 =	sand.u32 $0x1, s1  }
0x8c: {  	s17 =	sshll.u32 s0, $0xA;
	s2 =	sadd.s32 s3, s2  }
0x8d: {  	s2 =	sadd.s32 s2, s17  }
0x8e: {  	[smem:$0x3FB4] =	sst s2  }
0x8f: {  	_ = 	snop  }
0x90: {  	s2 =	sld [smem:$0x3FD0];
	(tm) =	ssettm $0x1  }
0x91: {  	s18 =	sld [smem:$0x3FFB];
	_ =	sdelay $0x3  }
0x92: {  	_ =	strace s18  }
0x93: {  	s3 =	sld [smem:$0x3FFC];
	_ =	sdelay $0x3  }
0x94: {  	_ =	strace s3  }
0x95: {  	s3 =	sld [smem:$0x3FFD];
	_ =	sdelay $0x3  }
0x96: {  	_ =	strace s3  }
0x97: {  	_ =	strace $0x8FFFFFFF  }
0x98: {  	s19 =	sld [smem:$0x3FDB];
	_ =	sdelay $0x1  }
0x99: {  	s4 =	simm.s32 $_scs_section_size  }
0x9a: {  	s5 =	simm.s32 $_size__tile_overlayer_lowered;
	s6 =	simm.s32 $_tile_overlayer_lowered  }
0x9b: {  	s22 =	simm.s32 $0x1BFF;
	s21 =	sshll.u32 s6, $0x1;
	s3 =	sadd.s32 s4, s19  }
0x9c: {  	s7 =	simm.s32 $0x0;
	s20 =	sshll.u32 s5, $0x1;
	s5 =	sadd.s32 s21, s3  }
0x9d: {  	[timem:s7], [sflag:s22] =	dma.local [hbm:s5], s20  }
0x9e: {  	_ =	swait.ge [sflag:s22], s20  }
0x9f: {  	s4 =	ssub.s32 $0x0, s20;
	[sflag:s22] =	ssyncset.done $0x0  }
0xa0: {  	[sflag:s22] =	ssyncadd.s32 s4;
	_ =	sdelay $0x1  }
0xa1: {  	s23 =	simm.s32 $0x1B8B  }
0xa2: {  	_ =	swait.ge [sflag:s23], $0x1  }
0xa3: {  	[sflag:s23] =	ssyncset.done $0x0  }
0xa4: {  	s25 =	simm.s32 $0x1B8E;
	s24 =	sld [smem:$0x3FFE];
	[sflag:s23] =	ssyncadd.s32 $0xFFFFFFFF  }
0xa5: {  	s26 =	simm.s32 $execute0_lowered;
	[smem:$0x3FD2] =	sst s25  }
0xa6: {  	s5 =	sshll.u32 s26, $0x1;
	_ =	strace $0x80000049;
	[dreg:$0x1] =	wrdreg $0xFFFFFFFF  }
0xa7: {  	s28 =	simm.s32 $_size_execute0_lowered;
	s3 =	sadd.s32 s3, s5;
	[dreg:$0x0] =	wrdreg $0x0  }
0xa8: {  	s5 =	sshll.u32 s28, $0x1;
	[dreg:$0x2] =	wrdreg s3  }
0xa9: {  	[dreg:$0x3] =	wrdreg s5  }
0xaa: {  	[dreg:$0x4] =	wrdreg $0xC0  }
0xab: {  	_ =	task [dreg:s7], $0x5FFFF  }
0xac: {  	[dreg:$0x1] =	wrdreg $0xFFFFFFFF  }
0xad: {  	[dreg:$0x0] =	wrdreg $0x60  }
0xae: {  	[dreg:$0x2] =	wrdreg s24  }
0xaf: {  	[dreg:$0x3] =	wrdreg s2  }
0xb0: {  	[dreg:$0x4] =	wrdreg $0x51000  }
0xb1: {  	[dreg:$0x5] =	wrdreg $0x9  }
0xb2: {  	_ =	task.clear_ibuf [dreg:s7], $0x6FFFF;
	_ =	strace $0x90000049  }
0xb3: {  	s29 =	simm.s32 $0x9;
	_ =	strace $0x8000004B  }
0xb4: {  	_ =	swait.ge [sflag:s29], $0x1  }
0xb5: {  	[sflag:s29] =	ssyncadd.s32 $0xFFFFFFFF  }
0xb6: {  	_ =	strace $0x9000004B  }
0xb7: {  	_ =	sfence  }
0xb8: {  	s30 =	sld [smem:$0x0];
	_ =	sdelay $0x2  }
0xb9: {  	s31 =	sshll.u32 s1, $0xD;
	s1 =	sshrl.u32 s1, $0x2  }
0xba: {  	s3 =	sand.u32 $0x4000, s31;
	s1 =	sadd.s32 s1, s30  }
0xbb: {  	s0 =	sor.u32 s3, s0;
	s1 =	sshll.u32 s1, $0x11  }
0xbc: {  	s0 =	sor.u32 s1, s0  }
0xbd: {  	s0 =	sadd.s32 $0x8F2B, s0  }
0xbe: {  	[sflag:s0] =	ssyncadd.remote.s32 $0x1  }
0xbf: {  	_ =	sfence.sel $0xFFFF  }
0xc0: {  	[dreg:$0x0] =	wrdreg $0xFFFFFFFF;
	(pc) =	sbr.abs _section_cstart, $3  }
0xc1: {  	[dreg:$0x1] =	wrdreg $0xFFFFFFFF  }
0xc2: {  	_ =	task.clear_ibuf [dreg:s7], $0x2FFFF;
	_ =	strace $0x9FFFFFFF  }
0xc3: {  	(tm) =	ssettm $0x7FFFFFFF  }
tec
execute0_lowered:
.L_overlay_start_1:
0x0: {  	(tag) =	ssettag $0x1  }
0x1: {  	s0 =	rddreg [dreg:$0x0]  }
0x2: {  	s5 =	rddreg [dreg:$0x1]  }
0x3: {  	s2 =	rddreg [dreg:$0x2];
	s3 =	simm.s32 $0x0  }
0x4: {  	s4 =	srdreg.scid;
	s1 =	stileid.u32;
	s16 =	simm.s32 $0x400  }
0x5: {  	s17 =	simm.s32 $0x800;
	s18 =	simm.s32 $0x100;
	s7 =	smul.u32 $0x28000, s1  }
0x6: {  	s19 =	simm.s32 $0x80;
	s20 =	simm.s32 $0x2900;
	s9 =	smul.u32 $0x50000, s1  }
0x7: {  	s28 =	simm.s32 $0x0;
	[smem:$0x7FF] =	sst s3;
	s10 =	smul.u32 $0x2800, s1  }
0x8: {  	s6 =	sand.u32 $0x1, s4;
	s4 =	sadd.s32 $0x787E00, s0;
	s23 =	smul.u32 $0x271000, s1  }
0x9: {  	s11 =	sadd.s32 $0x8C00, s0;
	s24 =	sshll.u32 s1, $0x6;
	s25 =	smul.u32 $0x2710, s1  }
0xa: {  	s15 =	smul.u32 $0x4E2, s1;
	s8 =	sshll.u32 s6, $0xA;
	s6 =	ssub.s32 $0x2, s6  }
0xb: {  	_ =	strace $0x8000004A;
	s7 =	sor.u32 s8, s7;
	s21 =	sshrl.u32 s6, $0x1  }
0xc: {  	s22 =	sshrl.u32 s9, $0x2;
	s5 =	sadd.s32 s5, s10;
	s13 =	sor.u32 s8, s23  }
0xd: {  	s26 =	sshrl.u32 s25, $0x3;
	s29 =	sadd.s32 s15, s11;
	s15 =	simm.s32 $0x5  }
0xe: {  	s23 =	simm.s32 $0x50;
	s25 =	simm.s32 $0x4;
	s7 =	sshrl.u32 s7, $0x3  }
0xf: {  	s12 =	ssub.s32 s6, s21;
	s14 =	sadd.s32 s22, s2;
	s6 =	sor.u32 $0x1C05, s24  }
0x10: {  	s8 =	sshrl.u32 s13, $0x3;
	s30 =	sadd.s32 $0x5000, s13;
	s21 =	simm.s32 $0x1  }
0x11: {  	s22 =	simm.s32 $0x3;
	s24 =	simm.s32 $0x2;
	s0 =	sadd.s32 s7, s0  }
0x12: {  	s7 =	sadd.s32 s11, s26;
	s8 =	sadd.s32 s4, s8;
	s10 =	smax.u32 s12, $0x1  }
0x13: {  	s11 =	sadd.s32 $0xA000, s13;
	s12 =	sadd.s32 $0x14, s29;
	s31 =	sshrl.u32 s30, $0x3  }
0x14: {  	s14 =	sshrl.u32 s14, $0x3;
	s9 =	sadd.s32 $0xDC00, s0;
	s13 =	sadd.s32 s31, s4  }
.LBB2_1:
0x15: {  	[spmem:s14], [sflag:s6] =	dma.local [hbm:s5], $0x2800  }
0x16: {  	_ =	swait.ge [sflag:s15], $0x2800  }
0x17: {  	[sflag:s15] =	ssyncset.done $0x0  }
0x18: {  	[sflag:s15] =	ssyncadd.s32 $0xFFFFD800  }
0x19: {  	[bflag:$0x0] =	sbarrier.arrive $0xFFFF  }
0x1a: {  	[tilespmem:s3], [sflag:$0x1] =	stream.linear.gather [hbm4b:s7+s3], $0x50, $0x38;
	[tilespmem:$0x19100] =	vst v63  }
0x1b: {  	_ = 	snop  }
0x1c: {  	[tilespmem:s18], [sflag:$0x3] =	stream.strided.gather [hbm4b:s8+s16], $0x2800, s17, s16, $0x38;
	[tilespmem:$0x19100] =	vst v63  }
0x1d: {  	s0 =	sadd.s32 $0xFFFFFFF6, s12  }
0x1e: {  	[tilespmem:s19], [sflag:$0x2] =	stream.linear.gather [hbm4b:s0+s3], $0x50, $0x38;
	[tilespmem:$0x19100] =	vst v63  }
0x1f: {  	s1 =	sadd.s32 $0x0, s13  }
0x20: {  	[tilespmem:s20], [sflag:$0x4] =	stream.strided.gather [hbm4b:s1+s16], $0x2800, s17, s16, $0x38;
	[tilespmem:$0x19100] =	vst v63  }
0x21: {  	_ =	swait.ge [sflag:s21], $0x50  }
0x22: {  	[sflag:s21] =	ssyncset.done $0x0  }
0x23: {  	[sflag:s21] =	ssyncadd.s32 $0xFFFFFFB0  }
0x24: {  	_ =	swait.ge [sflag:s22], $0x2800  }
0x25: {  	[sflag:s22] =	ssyncset.done $0x0  }
0x26: {  	[sflag:s22] =	ssyncadd.s32 $0xFFFFD800  }
0x27: {  	[spmem:s2] =	stream.indirect.scatter.add.f32 [tilespmem:s18], [sflag:$0x5], $0x80, s3, s23, $0xb8;
	[tilespmem:$0x19100] =	vst v63  }
0x28: {  	_ =	swait.ge [sflag:s15], $0x2800  }
0x29: {  	[sflag:s15] =	ssyncset.done $0x0  }
0x2a: {  	s26 =	sshrl.u32 s11, $0x3;
	[sflag:s15] =	ssyncadd.s32 $0xFFFFD800  }
0x2b: {  	[tilespmem:s3], [sflag:$0x1] =	stream.linear.gather [hbm4b:s12+s3], $0x50, $0x38;
	[tilespmem:$0x19100] =	vst v63  }
0x2c: {  	s0 =	sadd.s32 s4, s26  }
0x2d: {  	[tilespmem:s18], [sflag:$0x3] =	stream.strided.gather [hbm4b:s0+s16], $0x2800, s17, s16, $0x38;
	[tilespmem:$0x19100] =	vst v63  }
0x2e: {  	_ =	swait.ge [sflag:s24], $0x50  }
0x2f: {  	[sflag:s24] =	ssyncset.done $0x0  }
0x30: {  	[sflag:s24] =	ssyncadd.s32 $0xFFFFFFB0  }
0x31: {  	_ =	swait.ge [sflag:s25], $0x2800  }
0x32: {  	[sflag:s25] =	ssyncset.done $0x0  }
0x33: {  	[sflag:s25] =	ssyncadd.s32 $0xFFFFD800  }
0x34: {  	[spmem:s2] =	stream.indirect.scatter.add.f32 [tilespmem:s20], [sflag:$0x5], $0x80, s19, s23, $0xb8;
	[tilespmem:$0x19100] =	vst v63  }
0x35: {  	s31 =	simm.s32 $0x1400;
	s29 =	sadd.s32 $0x14, s12;
	_ =	swait.ge [sflag:s15], $0x2800  }
0x36: {  	s30 =	smov.u32 s11;
	s0 =	simm.s32 $0x2800;
	[sflag:s15] =	ssyncset.done $0x0  }
.LBB2_2:
0x37: {  	s1 =	sadd.s32 $0xFFFFFFF6, s29  }
0x38: {  	[sflag:s15] =	ssyncadd.s32 $0xFFFFD800;
	s30 =	sadd.s32 $0xA000, s30;
	s26 =	smov.u32 s0  }
0x39: {  	[tilespmem:s19], [sflag:$0x2] =	stream.linear.gather [hbm4b:s1+s3], $0x50, $0x38;
	[tilespmem:$0x19100] =	vst v63  }
0x3a: {  	p0 =	sne.s32 s0, $0x4C400;
	s0 =	sadd.s32 $0x1400, s0;
	s1 =	sadd.s32 s31, s13  }
0x3b: {  	[tilespmem:s20], [sflag:$0x4] =	stream.strided.gather [hbm4b:s1+s16], $0x2800, s17, s16, $0x38;
	[tilespmem:$0x19100] =	vst v63  }
0x3c: {  	s31 =	smov.u32 s26;
	_ =	swait.ge [sflag:s21], $0x50  }
0x3d: {  	[sflag:s21] =	ssyncset.done $0x0  }
0x3e: {  	[sflag:s21] =	ssyncadd.s32 $0xFFFFFFB0  }
0x3f: {  	_ =	swait.ge [sflag:s22], $0x2800  }
0x40: {  	[sflag:s22] =	ssyncset.done $0x0  }
0x41: {  	[sflag:s22] =	ssyncadd.s32 $0xFFFFD800  }
0x42: {  	[spmem:s2] =	stream.indirect.scatter.add.f32 [tilespmem:s18], [sflag:$0x5], $0x80, s3, s23, $0xb8;
	[tilespmem:$0x19100] =	vst v63  }
0x43: {  	_ =	swait.ge [sflag:s15], $0x2800  }
0x44: {  	[sflag:s15] =	ssyncset.done $0x0  }
0x45: {  	s1 =	sshrl.u32 s30, $0x3;
	[sflag:s15] =	ssyncadd.s32 $0xFFFFD800  }
0x46: {  	[tilespmem:s3], [sflag:$0x1] =	stream.linear.gather [hbm4b:s29+s3], $0x50, $0x38;
	[tilespmem:$0x19100] =	vst v63  }
0x47: {  	s1 =	sadd.s32 s4, s1  }
0x48: {  	[tilespmem:s18], [sflag:$0x3] =	stream.strided.gather [hbm4b:s1+s16], $0x2800, s17, s16, $0x38;
	[tilespmem:$0x19100] =	vst v63  }
0x49: {  	_ =	swait.ge [sflag:s24], $0x50  }
0x4a: {  	[sflag:s24] =	ssyncset.done $0x0  }
0x4b: {  	[sflag:s24] =	ssyncadd.s32 $0xFFFFFFB0  }
0x4c: {  	_ =	swait.ge [sflag:s25], $0x2800  }
.Ltmp0:
0x4d: {  	[sflag:s25] =	ssyncset.done $0x0;
	(pc) =	sbr.rel @p0 .LBB2_2-.Ltmp0, $4  }
0x4e: {  	[sflag:s25] =	ssyncadd.s32 $0xFFFFD800  }
0x4f: {  	[spmem:s2] =	stream.indirect.scatter.add.f32 [tilespmem:s20], [sflag:$0x5], $0x80, s19, s23, $0xb8;
	[tilespmem:$0x19100] =	vst v63  }
0x50: {  	_ =	swait.ge [sflag:s15], $0x2800  }
0x51: {  	s29 =	sadd.s32 $0x14, s29;
	[sflag:s15] =	ssyncset.done $0x0  }
0x52: {  	s0 =	sadd.s32 $0xFFFFFFF6, s29;
	[sflag:s15] =	ssyncadd.s32 $0xFFFFD800  }
0x53: {  	[tilespmem:s19], [sflag:$0x2] =	stream.linear.gather [hbm4b:s0+s3], $0x50, $0x38;
	[tilespmem:$0x19100] =	vst v63  }
0x54: {  	s26 =	sadd.s32 s31, s13  }
0x55: {  	[tilespmem:s20], [sflag:$0x4] =	stream.strided.gather [hbm4b:s26+s16], $0x2800, s17, s16, $0x38;
	[tilespmem:$0x19100] =	vst v63  }
0x56: {  	_ =	swait.ge [sflag:s21], $0x50  }
0x57: {  	[sflag:s21] =	ssyncset.done $0x0  }
0x58: {  	[sflag:s21] =	ssyncadd.s32 $0xFFFFFFB0  }
0x59: {  	_ =	swait.ge [sflag:s22], $0x2800  }
0x5a: {  	[sflag:s22] =	ssyncset.done $0x0  }
0x5b: {  	[sflag:s22] =	ssyncadd.s32 $0xFFFFD800  }
0x5c: {  	[spmem:s2] =	stream.indirect.scatter.add.f32 [tilespmem:s18], [sflag:$0x5], $0x80, s3, s23, $0xb8;
	[tilespmem:$0x19100] =	vst v63  }
0x5d: {  	_ =	swait.ge [sflag:s15], $0x2800  }
0x5e: {  	s30 =	sadd.s32 $0xA000, s30;
	[sflag:s15] =	ssyncset.done $0x0  }
0x5f: {  	s0 =	sshrl.u32 s30, $0x3;
	[sflag:s15] =	ssyncadd.s32 $0xFFFFD800  }
0x60: {  	[tilespmem:s3], [sflag:$0x1] =	stream.linear.gather [hbm4b:s29+s3], $0x50, $0x38;
	[tilespmem:$0x19100] =	vst v63  }
0x61: {  	s0 =	sadd.s32 s4, s0  }
0x62: {  	[tilespmem:s18], [sflag:$0x3] =	stream.strided.gather [hbm4b:s0+s16], $0x2800, s17, s16, $0x38;
	[tilespmem:$0x19100] =	vst v63  }
0x63: {  	_ =	swait.ge [sflag:s24], $0x50  }
0x64: {  	[sflag:s24] =	ssyncset.done $0x0  }
0x65: {  	[sflag:s24] =	ssyncadd.s32 $0xFFFFFFB0  }
0x66: {  	_ =	swait.ge [sflag:s25], $0x2800  }
0x67: {  	[sflag:s25] =	ssyncset.done $0x0  }
0x68: {  	[sflag:s25] =	ssyncadd.s32 $0xFFFFD800  }
0x69: {  	[spmem:s2] =	stream.indirect.scatter.add.f32 [tilespmem:s20], [sflag:$0x5], $0x80, s19, s23, $0xb8;
	[tilespmem:$0x19100] =	vst v63  }
0x6a: {  	_ =	swait.ge [sflag:s15], $0x2800  }
0x6b: {  	[sflag:s15] =	ssyncset.done $0x0  }
0x6c: {  	[sflag:s15] =	ssyncadd.s32 $0xFFFFD800  }
0x6d: {  	_ =	swait.ge [sflag:s21], $0x50  }
0x6e: {  	[sflag:s21] =	ssyncset.done $0x0  }
0x6f: {  	[sflag:s21] =	ssyncadd.s32 $0xFFFFFFB0  }
0x70: {  	_ =	swait.ge [sflag:s22], $0x2800  }
0x71: {  	[sflag:s22] =	ssyncset.done $0x0  }
0x72: {  	[sflag:s22] =	ssyncadd.s32 $0xFFFFD800  }
0x73: {  	[spmem:s2] =	stream.indirect.scatter.add.f32 [tilespmem:s18], [sflag:$0x5], $0x80, s3, s23, $0xb8;
	[tilespmem:$0x19100] =	vst v63  }
0x74: {  	_ =	swait.ge [sflag:s15], $0x2800  }
0x75: {  	s28 =	sadd.s32 $0x1, s28;
	[sflag:s15] =	ssyncset.done $0x0  }
0x76: {  	p0 =	sne.s32 s28, s10;
	[sflag:s15] =	ssyncadd.s32 $0xFFFFD800  }
.Ltmp1:
0x77: {  	s31 =	simm.s32 $0x8;
	[bflag:$0x0] =	sbarrier.arrive $0xFFFF;
	(pc) =	sbr.rel @p0 .LBB2_1-.Ltmp1, $4  }
0x78: {  	[hbm:s9@s18], [sflag:s6] =	dma.strided [spmem:s14@s19], $0x2800, s31, $0x10   }
0x79: {  	_ =	swait.ge [sflag:s15], $0x2800  }
0x7a: {  	[sflag:s15] =	ssyncset.done $0x0  }
0x7b: {  	[sflag:s15] =	ssyncadd.s32 $0xFFFFD800  }
0x7c: {  	_ =	sfence.sel $0x180000  }
0x7d: {  	[bflag:$0x0] =	sbarrier.arrive $0xFFFF  }
0x7e: {  	_ =	strace $0x9000004A  }
0x7f: {  	s0 =	stileid.u32;
	[bflag:$0x2] =	sbarrier.arrive $0xFFFF  }
0x80: {  	p0 =	sne.s32 s0, $0x0;
	s0 =	rddreg [dreg:$0x3]  }
0x81: {  	s0 =	sadd.s32 @!p0 $0x100000, s0  }
0x82: {  	[sflag:s0] =	ssyncadd.tile.s32 @!p0 $0x1;
	_ =	shalt  }
.Lfunc_end2:
_tile_overlayer_lowered:
.L_overlay_start_2:
0x83: {  	(tag) =	ssettag $0x2  }
0x84: {  	s0 =	rddreg [dreg:$0x0];
	s2 =	stileid.u32  }
0x85: {  	s1 =	rddreg [dreg:$0x1];
	p0 =	sne.s32 s2, $0x0  }
0x86: {  	s3 =	rddreg [dreg:$0x2];
	[bflag:$0x3] =	sbarrier.arrive $0xFFFF;
	s2 =	simm.s32 @!p0 $0x1C05  }
0x87: {  	[timem:s3], [sflag:s2] =	dma.local @!p0 [hbm:s0], s1  }
0x88: {  	s0 =	simm.s32 @!p0 $0x5  }
0x89: {  	_ =	swait.ge @!p0 [sflag:s0], s1  }
0x8a: {  	s1 =	ssub.s32 @!p0 $0x0, s1;
	[sflag:s0] =	ssyncset.done @!p0 $0x0  }
0x8b: {  	[sflag:s0] =	ssyncadd.s32 @!p0 s1  }
0x8c: {  	[bflag:$0x3] =	sbarrier.arrive $0xFFFF  }
0x8d: {  	_ =	shalt  }

// kernel: kernel.7.cloned.1.call-start
scs
__scs_entry_jumppad:
0x0: {  	(pc) =	sbr.rel $0x88, $3  }
0x1: {  	(tag) =	ssettag $0x0;
	lr =	simm.s32 $0x1  }
0x2: {  	[smem:$0x3F8D] =	sst lr;
	_ =	strace $0xD0000000  }
0x3: {  	_ = 	snop  }
0x4: {  	_ = 	snop  }
0x5: {  	_ = 	snop  }
0x6: {  	_ = 	snop  }
0x7: {  	_ = 	snop  }
__scs_overlays_trampoline_lowered:
0x8: {  	[smem:$0x3F9C] =	sst s0  }
0x9: {  	[smem:$0x3F9D] =	sst s1  }
0xa: {  	[smem:$0x3F9E] =	sst s2  }
0xb: {  	[smem:$0x3F9F] =	sst s3  }
0xc: {  	[smem:$0x3FA0] =	sst s4  }
0xd: {  	[smem:$0x3FA1] =	sst s5  }
0xe: {  	[smem:$0x3FA2] =	sst s6  }
0xf: {  	[smem:$0x3FA3] =	sst s7  }
0x10: {  	[smem:$0x3FA4] =	sst s8  }
0x11: {  	[smem:$0x3FA5] =	sst s9;
	s0 =	simm.s32 @!p0 $0x0  }
0x12: {  	s1 =	sld [smem:$0x3F8B];
	s0 =	simm.s32 @p0 $0x1  }
0x13: {  	[smem:$0x3FA6] =	sst s0;
	s0 =	simm.s32 @!p1 $0x0  }
0x14: {  	s2 =	sld [smem:$0x3F8A];
	s0 =	simm.s32 @p1 $0x1  }
0x15: {  	[smem:$0x3FA7] =	sst s0;
	s0 =	simm.s32 @!p2 $0x0  }
0x16: {  	s3 =	sld [smem:$0x3FDB];
	s0 =	simm.s32 @p2 $0x1  }
0x17: {  	s4 =	simm.s32 $0x1BF5;
	[smem:$0x3FA9] =	sst s0  }
0x18: {  	s0 =	sld [smem:$0x3F8C];
	_ =	swait.ge [sflag:s4], $0x0  }
0x19: {  	s7 =	sld [smem:$0x3F8D]  }
0x1a: {  	s8 =	sadd.s32 $0xFFFFE003, lr  }
0x1b: {  	s9 =	sadd.s32 $0xFFFFFEF7, lr;
	s5 =	simm.s32 $0xFFFFFFFF;
	p2 =	slt.u32 s8, $0xFFFFF086  }
0x1c: {  	p1 =	slt.u32 s9, $0xF7A;
	s5 =	simm.s32 @!p2 $0x0  }
0x1d: {  	s5 =	simm.s32 @p1 $0x1;
	p0 =	seq.s32 s7, s2  }
0x1e: {  	s7 =	smul.u32 @!p0 $0xF7A, s2;
	p2 =	seq.s32 @!p0 s5, $0x0  }
0x1f: {  	s9 =	smul.u32 $0xF7A, s1;
	s8 =	simm.s32 @!p0 $0x1BF5;
	p2 =	por !p2, p0  }
0x20: {  	[sflag:s8] =	ssyncset.s32 @!p0 $0xFFFFF086;
	s6 =	sadd.s32 @!p0 s3, s7;
	s7 =	simm.s32 @!p0 $0x108  }
0x21: {  	s3 =	sadd.s32 s3, s9;
	s6 =	sadd.s32 @!p0 $0x88, s6;
	s7 =	simm.s32 @p2 $0x1082  }
0x22: {  	[simem:s7], [sflag:s8] =	dma.local @!p0 [hbm:s6], $0xF7A  }
0x23: {  	s9 =	sor.u32 $0xD0000000, s2;
	s6 =	simm.s32 $0x108;
	_ =	swait.ge @!p0 [sflag:s8], $0x0  }
0x24: {  	s3 =	sadd.s32 $0x88, s3;
	s6 =	simm.s32 @!p1 $0x1082;
	[sflag:s4] =	ssyncset.s32 $0xFFFFF086  }
0x25: {  	[simem:s6], [sflag:s4] =	dma.local [hbm:s3], $0xF7A  }
0x26: {  	[smem:$0x3F8D] =	sst s1;
	(tag) =	ssettag s2;
	_ =	strace s9  }
0x27: {  	s1 =	sld [smem:$0x3F9D]  }
0x28: {  	s2 =	sld [smem:$0x3F9E]  }
0x29: {  	s4 =	sld [smem:$0x3FA0]  }
0x2a: {  	p0 =	seq.s32 s5, $0x0;
	s5 =	sld [smem:$0x3FA1]  }
0x2b: {  	s6 =	sld [smem:$0x3FA2]  }
0x2c: {  	s7 =	sld [smem:$0x3FA3]  }
0x2d: {  	s3 =	simm.s32 $0x108;
	s8 =	sld [smem:$0x3FA4]  }
0x2e: {  	s3 =	simm.s32 @!p0 $0x1082;
	s9 =	sld [smem:$0x3FA5]  }
0x2f: {  	lr =	sadd.s32 s0, s3;
	s0 =	sld [smem:$0x3F9C]  }
0x30: {  	s3 =	sld [smem:$0x3F9F]  }
0x31: {  	[smem:$0x3FA8] =	sst s10  }
0x32: {  	s10 =	sld [smem:$0x3FA6];
	_ =	sdelay $0x3  }
0x33: {  	p0 =	seq.s32 s10, $0x1;
	s10 =	sld [smem:$0x3FA8];
	_ =	sdelay $0x3  }
0x34: {  	[smem:$0x3FA8] =	sst s10  }
0x35: {  	s10 =	sld [smem:$0x3FA7];
	_ =	sdelay $0x3  }
0x36: {  	p1 =	seq.s32 s10, $0x1;
	s10 =	sld [smem:$0x3FA8];
	_ =	sdelay $0x3  }
0x37: {  	[smem:$0x3FA8] =	sst s10  }
0x38: {  	s10 =	sld [smem:$0x3FA9]  }
0x39: {  	_ = 	snop;
	(pc) =	sbr.ind lr, $3  }
0x3a: {  	_ = 	snop  }
0x3b: {  	_ = 	snop  }
0x3c: {  	p2 =	seq.s32 s10, $0x1;
	s10 =	sld [smem:$0x3FA8]  }
0x3d: {  	_ =	shalt  }
0x3e: {  	_ =	shalt  }
0x3f: {  	_ =	shalt  }
0x40: {  	_ =	shalt  }
0x41: {  	_ =	shalt  }
0x42: {  	_ =	shalt  }
0x43: {  	_ =	shalt  }
0x44: {  	_ =	shalt  }
0x45: {  	_ =	shalt  }
0x46: {  	_ =	shalt  }
0x47: {  	_ =	shalt  }
0x48: {  	_ =	shalt  }
0x49: {  	_ =	shalt  }
0x4a: {  	_ =	shalt  }
0x4b: {  	_ =	shalt  }
0x4c: {  	_ =	shalt  }
0x4d: {  	_ =	shalt  }
0x4e: {  	_ =	shalt  }
0x4f: {  	_ =	shalt  }
0x50: {  	_ =	shalt  }
0x51: {  	_ =	shalt  }
0x52: {  	_ =	shalt  }
0x53: {  	_ =	shalt  }
0x54: {  	_ =	shalt  }
0x55: {  	_ =	shalt  }
0x56: {  	_ =	shalt  }
0x57: {  	_ =	shalt  }
0x58: {  	_ =	shalt  }
0x59: {  	_ =	shalt  }
0x5a: {  	_ =	shalt  }
0x5b: {  	_ =	shalt  }
0x5c: {  	_ =	shalt  }
0x5d: {  	_ =	shalt  }
0x5e: {  	_ =	shalt  }
0x5f: {  	_ =	shalt  }
0x60: {  	_ =	shalt  }
0x61: {  	_ =	shalt  }
0x62: {  	_ =	shalt  }
0x63: {  	_ =	shalt  }
0x64: {  	_ =	shalt  }
0x65: {  	_ =	shalt  }
0x66: {  	_ =	shalt  }
0x67: {  	_ =	shalt  }
0x68: {  	_ =	shalt  }
0x69: {  	_ =	shalt  }
0x6a: {  	_ =	shalt  }
0x6b: {  	_ =	shalt  }
0x6c: {  	_ =	shalt  }
0x6d: {  	_ =	shalt  }
0x6e: {  	_ =	shalt  }
0x6f: {  	_ =	shalt  }
0x70: {  	_ =	shalt  }
0x71: {  	_ =	shalt  }
0x72: {  	_ =	shalt  }
0x73: {  	_ =	shalt  }
0x74: {  	_ =	shalt  }
0x75: {  	_ =	shalt  }
0x76: {  	_ =	shalt  }
0x77: {  	_ =	shalt  }
0x78: {  	_ =	shalt  }
0x79: {  	_ =	shalt  }
0x7a: {  	_ =	shalt  }
0x7b: {  	_ =	shalt  }
0x7c: {  	_ =	shalt  }
0x7d: {  	_ =	shalt  }
0x7e: {  	_ =	shalt  }
0x7f: {  	_ =	shalt  }
0x80: {  	_ =	shalt  }
0x81: {  	_ =	shalt  }
0x82: {  	_ =	shalt  }
0x83: {  	_ =	shalt  }
0x84: {  	_ =	shalt  }
0x85: {  	_ =	shalt  }
0x86: {  	_ =	shalt  }
0x87: {  	_ =	shalt  }
.Lfunc_end0:
.L_simem_size_0:
called_computation_lowered:
.L_overlay_start_0:
0x88: {  	s2 =	sld [smem:$0x3FD9]  }
0x89: {  	s3 =	sld [smem:$0x3FFE];
	_ =	sdelay $0x1  }
0x8a: {  	s1 =	srdreg.scid  }
0x8b: {  	s0 =	sand.u32 $0x1, s1  }
0x8c: {  	s17 =	sshll.u32 s0, $0xA;
	s2 =	sadd.s32 s3, s2  }
0x8d: {  	s2 =	sadd.s32 s2, s17  }
0x8e: {  	[smem:$0x3FB4] =	sst s2  }
0x8f: {  	_ = 	snop  }
0x90: {  	s2 =	sld [smem:$0x3FD0];
	(tm) =	ssettm $0x1  }
0x91: {  	s18 =	sld [smem:$0x3FFB];
	_ =	sdelay $0x3  }
0x92: {  	_ =	strace s18  }
0x93: {  	s3 =	sld [smem:$0x3FFC];
	_ =	sdelay $0x3  }
0x94: {  	_ =	strace s3  }
0x95: {  	s3 =	sld [smem:$0x3FFD];
	_ =	sdelay $0x3  }
0x96: {  	_ =	strace s3  }
0x97: {  	_ =	strace $0x8FFFFFFF  }
0x98: {  	s19 =	sld [smem:$0x3FDB];
	_ =	sdelay $0x1  }
0x99: {  	s4 =	simm.s32 $_scs_section_size  }
0x9a: {  	s5 =	simm.s32 $_size__tile_overlayer_lowered;
	s6 =	simm.s32 $_tile_overlayer_lowered  }
0x9b: {  	s22 =	simm.s32 $0x1BFF;
	s21 =	sshll.u32 s6, $0x1;
	s3 =	sadd.s32 s4, s19  }
0x9c: {  	s7 =	simm.s32 $0x0;
	s20 =	sshll.u32 s5, $0x1;
	s5 =	sadd.s32 s21, s3  }
0x9d: {  	[timem:s7], [sflag:s22] =	dma.local [hbm:s5], s20  }
0x9e: {  	_ =	swait.ge [sflag:s22], s20  }
0x9f: {  	s4 =	ssub.s32 $0x0, s20;
	[sflag:s22] =	ssyncset.done $0x0  }
0xa0: {  	[sflag:s22] =	ssyncadd.s32 s4;
	_ =	sdelay $0x1  }
0xa1: {  	s23 =	simm.s32 $0x1B8B  }
0xa2: {  	_ =	swait.ge [sflag:s23], $0x1  }
0xa3: {  	[sflag:s23] =	ssyncset.done $0x0  }
0xa4: {  	s25 =	simm.s32 $0x1B8E;
	s24 =	sld [smem:$0x3FFE];
	[sflag:s23] =	ssyncadd.s32 $0xFFFFFFFF  }
0xa5: {  	s26 =	simm.s32 $execute0_lowered;
	[smem:$0x3FD2] =	sst s25  }
0xa6: {  	s5 =	sshll.u32 s26, $0x1;
	_ =	strace $0x80000046;
	[dreg:$0x1] =	wrdreg $0xFFFFFFFF  }
0xa7: {  	s28 =	simm.s32 $_size_execute0_lowered;
	s3 =	sadd.s32 s3, s5;
	[dreg:$0x0] =	wrdreg $0x0  }
0xa8: {  	s5 =	sshll.u32 s28, $0x1;
	[dreg:$0x2] =	wrdreg s3  }
0xa9: {  	[dreg:$0x3] =	wrdreg s5  }
0xaa: {  	[dreg:$0x4] =	wrdreg $0xC0  }
0xab: {  	_ =	task [dreg:s7], $0x5FFFF  }
0xac: {  	[dreg:$0x1] =	wrdreg $0xFFFFFFFF  }
0xad: {  	[dreg:$0x0] =	wrdreg $0x60  }
0xae: {  	[dreg:$0x2] =	wrdreg s24  }
0xaf: {  	[dreg:$0x3] =	wrdreg s2  }
0xb0: {  	[dreg:$0x4] =	wrdreg $0x9  }
0xb1: {  	_ =	task.clear_ibuf [dreg:s7], $0x5FFFF;
	_ =	strace $0x90000046  }
0xb2: {  	s29 =	simm.s32 $0x9;
	_ =	strace $0x80000048  }
0xb3: {  	_ =	swait.ge [sflag:s29], $0x1  }
0xb4: {  	[sflag:s29] =	ssyncadd.s32 $0xFFFFFFFF  }
0xb5: {  	_ =	strace $0x90000048  }
0xb6: {  	_ =	sfence  }
0xb7: {  	s30 =	sld [smem:$0x0];
	_ =	sdelay $0x2  }
0xb8: {  	s31 =	sshll.u32 s1, $0xD;
	s1 =	sshrl.u32 s1, $0x2  }
0xb9: {  	s3 =	sand.u32 $0x4000, s31;
	s1 =	sadd.s32 s1, s30  }
0xba: {  	s0 =	sor.u32 s3, s0;
	s1 =	sshll.u32 s1, $0x11  }
0xbb: {  	s0 =	sor.u32 s1, s0  }
0xbc: {  	s0 =	sadd.s32 $0x8F2B, s0  }
0xbd: {  	[sflag:s0] =	ssyncadd.remote.s32 $0x1  }
0xbe: {  	_ =	sfence.sel $0xFFFF  }
0xbf: {  	[dreg:$0x0] =	wrdreg $0xFFFFFFFF;
	(pc) =	sbr.abs _section_cstart, $3  }
0xc0: {  	[dreg:$0x1] =	wrdreg $0xFFFFFFFF  }
0xc1: {  	_ =	task.clear_ibuf [dreg:s7], $0x2FFFF;
	_ =	strace $0x9FFFFFFF  }
0xc2: {  	(tm) =	ssettm $0x7FFFFFFF  }
0xc3: {  	_ =	shalt  }
tec
execute0_lowered:
.L_overlay_start_1:
0x0: {  	(tag) =	ssettag $0x1  }
0x1: {  	s0 =	rddreg [dreg:$0x0]  }
0x2: {  	s1 =	srdreg.scid;
	s12 =	stileid.u32  }
0x3: {  	s2 =	rddreg [dreg:$0x1];
	s3 =	simm.s32 $0x0;
	s14 =	simm.s32 $0x28  }
0x4: {  	s15 =	simm.s32 $0x2800;
	s16 =	simm.s32 $0x5000;
	s17 =	simm.s32 $0x5800  }
0x5: {  	s18 =	simm.s32 $0x6000;
	s19 =	simm.s32 $0x6800;
	s24 =	simm.s32 $0x8000  }
0x6: {  	s25 =	simm.s32 $0x8800;
	s26 =	simm.s32 $0x9000;
	s28 =	simm.s32 $0x7  }
0x7: {  	s29 =	simm.s32 $0x2;
	s30 =	simm.s32 $0x4;
	s31 =	simm.s32 $0x6  }
0x8: {  	s1 =	sand.u32 $0x1, s1;
	s4 =	sshll.u32 s12, $0x1;
	s10 =	smul.u32 $0x4E200, s12  }
0x9: {  	[smem:$0x7FF] =	sst s3;
	s9 =	sadd.s32 $0x34E00, s0;
	s12 =	smul.u32 $0x27100, s12  }
0xa: {  	s4 =	sor.u32 s1, s4;
	_ =	strace $0x80000047;
	[dreg:$0x3] =	wrdreg s24  }
0xb: {  	s7 =	ssub.s32 $0x2, s1;
	s11 =	smul.u32 $0x27100, s1;
	[dreg:$0x4] =	wrdreg s25  }
0xc: {  	s1 =	smul.u32 $0x13880, s1;
	[dreg:$0x5] =	wrdreg s26;
	s24 =	simm.s32 $0x1  }
0xd: {  	s25 =	simm.s32 $0x3;
	s26 =	simm.s32 $0x5;
	s5 =	smul.u32 $0x1388, s4  }
0xe: {  	s4 =	sadd.s32 $0xDC00, s0;
	s8 =	sshrl.u32 s7, $0x1;
	s22 =	sadd.s32 s12, s9  }
0xf: {  	s12 =	simm.s32 $0x9;
	s7 =	ssub.s32 s7, s8;
	s13 =	sadd.s32 s1, s22  }
0x10: {  	s22 =	simm.s32 $0x7800;
	s1 =	simm.s32 $0x8;
	s6 =	sshrl.u32 s5, $0x3  }
0x11: {  	s5 =	sadd.s32 $0x1360, s5;
	s23 =	smax.u32 s7, $0x1;
	s6 =	sadd.s32 s6, s0  }
0x12: {  	s0 =	sadd.s32 $0x2A5E00, s0;
	s21 =	sshll.u32 s5, $0x4;
	s5 =	sshll.u32 s5, $0x5  }
0x13: {  	[dreg:$0xa] =	wrdreg s23;
	s23 =	simm.s32 $0x9800;
	s20 =	sadd.s32 $0x8C00, s6  }
0x14: {  	s6 =	sadd.s32 $0x3C00, s6;
	s5 =	sadd.s32 s0, s5;
	[dreg:$0x6] =	wrdreg s20  }
0x15: {  	v2 =	vlaneseq.u32;
	s0 =	sadd.s32 s10, s0;
	[dreg:$0x7] =	wrdreg s6;
	s6 =	sadd.s32 s9, s21  }
0x16: {  	vm0 =	vmmov $0xffff;
	v1 =	vshrl.u32 v2, $0x3;
	[dreg:$0x9] =	wrdreg s5;
	s5 =	sadd.s32 s11, s0;
	s20 =	simm.s32 $0x7000  }
0x17: {  	v0 =	vand.u32 $0x7, v2;
	v2 =	vor.u32 $0x8, v2;
	v1 =	vmul.u32 $0x8, v1;
	s21 =	simm.s32 $0x3C00;
	s0 =	simm.s32 $0x0;
	[dreg:$0x8] =	wrdreg s6  }
.LBB2_1:
0x18: {  	s6 =	rddreg [dreg:$0x6]  }
0x19: {  	[tilespmem:s3], [sflag:$0x9] =	stream.linear.gather [hbm4b:s6+s3], $0x1388, $0x38;
	[tilespmem:$0xA000] =	vst v63  }
0x1a: {  	_ =	swait.ge [sflag:s12], $0x1388  }
0x1b: {  	[sflag:s12] =	ssyncset.done $0x0  }
0x1c: {  	s7 =	simm.s32 $0x1400;
	s11 =	rddreg [dreg:$0x7];
	[sflag:s12] =	ssyncadd.s32 $0xFFFFEC78  }
0x1d: {  	[tilespmem:s7], [sflag:$0x9] =	stream.linear.gather [hbm4b:s11+s3], $0x1388, $0x38;
	[tilespmem:$0xA000] =	vst v63  }
0x1e: {  	_ =	swait.ge [sflag:s12], $0x1388  }
0x1f: {  	[sflag:s12] =	ssyncset.done $0x0  }
0x20: {  	[sflag:s12] =	ssyncadd.s32 $0xFFFFEC78  }
0x21: {  	[tilespmem:s15], [sflag:$0x1] =	stream.indirect.gather [hbm4b:s4+s14], $0x80, s3, s14, $0xb8;
	[tilespmem:$0xA000] =	vst v63  }
0x22: {  	v3 =	vld [tilespmem:$0x1400];
	_ =	sdelay $0x4  }
0x23: {  	v4 =	vshll.u32 v3, $0x1  }
0x24: {  	v3 =	vand.u32 $0x7, v3;
	v4 =	vand.u32 $0xFFFFFFF0, v4  }
0x25: {  	v3 =	vor.u32 v3, v4  }
0x26: {  	v4 =	vperm.xlane v3, v0;
	_ =	sdelay $0x1  }
0x27: {  	v3 =	vperm.xlane v3, v2;
	v4 =	vadd.s32 v1, v4;
	_ =	sdelay $0x1  }
0x28: {  	v3 =	vadd.s32 v1, v3;
	_ =	sdelay $0x2  }
0x29: {  	[tilespmem:s16], [sflag:$0x3] =	stream.indirect_vreg.gather [hbm4b:s2+s3], $0x80, v4, vm0, $0xb8;
	[tilespmem:$0xA000] =	vst v63  }
0x2a: {  	_ = 	snop  }
0x2b: {  	[tilespmem:s17], [sflag:$0x3] =	stream.indirect_vreg.gather [hbm4b:s2+s3], $0x80, v3, vm0, $0xb8;
	[tilespmem:$0xA000] =	vst v63  }
0x2c: {  	v3 =	vld [tilespmem:$0x1410];
	_ =	sdelay $0x4  }
0x2d: {  	v62 =	vshll.u32 v3, $0x1  }
0x2e: {  	v3 =	vand.u32 $0x7, v3;
	v4 =	vand.u32 $0xFFFFFFF0, v62  }
0x2f: {  	v3 =	vor.u32 v3, v4  }
0x30: {  	v4 =	vperm.xlane v3, v0;
	_ =	sdelay $0x1  }
0x31: {  	v3 =	vperm.xlane v3, v2;
	v4 =	vadd.s32 v1, v4;
	_ =	sdelay $0x1  }
0x32: {  	v3 =	vadd.s32 v1, v3;
	_ =	sdelay $0x2  }
0x33: {  	[tilespmem:s18], [sflag:$0x3] =	stream.indirect_vreg.gather [hbm4b:s2+s3], $0x80, v4, vm0, $0xb8;
	[tilespmem:$0xA000] =	vst v63  }
0x34: {  	_ = 	snop  }
0x35: {  	[tilespmem:s19], [sflag:$0x3] =	stream.indirect_vreg.gather [hbm4b:s2+s3], $0x80, v3, vm0, $0xb8;
	[tilespmem:$0xA000] =	vst v63  }
0x36: {  	v3 =	vld.msk [tilespmem:$0x1420], $0xff;
	_ =	sdelay $0x4  }
0x37: {  	v63 =	vshll.u32 v3, $0x1  }
0x38: {  	v3 =	vand.u32 $0x7, v3;
	v4 =	vand.u32 $0xFFFFFFF0, v63  }
0x39: {  	v3 =	vor.u32 v3, v4  }
0x3a: {  	v3 =	vperm.xlane v3, v0;
	_ =	sdelay $0x1  }
0x3b: {  	v3 =	vadd.s32 v1, v3;
	_ =	sdelay $0x3  }
0x3c: {  	s10 =	smov.u32 s5;
	s6 =	simm.s32 $0x0;
	s11 =	smov.u32 s13  }
0x3d: {  	[tilespmem:s20], [sflag:$0x3] =	stream.indirect_vreg.gather [hbm4b:s2+s3], $0x80, v3, vm0, $0xb8;
	[tilespmem:$0xA000] =	vst v63  }
.LBB2_2:
0x3e: {  	p0 =	seq.s32 s6, $0x0  }
0x3f: {  	s7 =	simm.s32 @!p0 $0x6  }
0x40: {  	_ =	swait.ge @!p0 [sflag:s7], $0x1400  }
0x41: {  	[sflag:s7] =	ssyncset.done @!p0 $0x0  }
0x42: {  	s8 =	simm.s32 @!p0 $0x8;
	[sflag:s7] =	ssyncadd.s32 @!p0 $0xFFFFEC00  }
0x43: {  	_ =	swait.ge @!p0 [sflag:s8], $0x2800  }
0x44: {  	s7 =	sshra.s32 s6, $0x2;
	[sflag:s8] =	ssyncset.done @!p0 $0x0  }
0x45: {  	s9 =	sadd.s32 $0x28, s7;
	[sflag:s8] =	ssyncadd.s32 @!p0 $0xFFFFD800  }
0x46: {  	[tilespmem:s21], [sflag:$0x2] =	stream.indirect.gather [hbm4b:s4+s14], $0x80, s9, s14, $0xb8;
	[tilespmem:$0xA000] =	vst v63  }
0x47: {  	v3 =	vld [tilespmem:s7+$0x1428];
	_ =	sdelay $0x4  }
0x48: {  	v4 =	vshll.u32 v3, $0x1  }
0x49: {  	v3 =	vand.u32 $0x7, v3;
	v4 =	vand.u32 $0xFFFFFFF0, v4  }
0x4a: {  	v3 =	vor.u32 v3, v4  }
0x4b: {  	v4 =	vperm.xlane v3, v0;
	_ =	sdelay $0x1  }
0x4c: {  	v3 =	vperm.xlane v3, v2;
	v4 =	vadd.s32 v1, v4;
	_ =	sdelay $0x1  }
0x4d: {  	v3 =	vadd.s32 v1, v3;
	_ =	sdelay $0x2  }
0x4e: {  	[tilespmem:s22], [sflag:$0x4] =	stream.indirect_vreg.gather [hbm4b:s2+s3], $0x80, v4, vm0, $0xb8;
	[tilespmem:$0xA000] =	vst v63  }
0x4f: {  	s9 =	rddreg [dreg:$0x3]  }
0x50: {  	[tilespmem:s9], [sflag:$0x4] =	stream.indirect_vreg.gather [hbm4b:s2+s3], $0x80, v3, vm0, $0xb8;
	[tilespmem:$0xA000] =	vst v63  }
0x51: {  	v3 =	vld [tilespmem:s7+$0x1438];
	_ =	sdelay $0x4  }
0x52: {  	v59 =	vshll.u32 v3, $0x1  }
0x53: {  	v3 =	vand.u32 $0x7, v3;
	v4 =	vand.u32 $0xFFFFFFF0, v59  }
0x54: {  	v3 =	vor.u32 v3, v4  }
0x55: {  	v4 =	vperm.xlane v3, v0;
	_ =	sdelay $0x1  }
0x56: {  	v3 =	vperm.xlane v3, v2;
	v4 =	vadd.s32 v1, v4;
	_ =	sdelay $0x1  }
0x57: {  	v3 =	vadd.s32 v1, v3;
	_ =	sdelay $0x1  }
0x58: {  	s8 =	rddreg [dreg:$0x4]  }
0x59: {  	[tilespmem:s8], [sflag:$0x4] =	stream.indirect_vreg.gather [hbm4b:s2+s3], $0x80, v4, vm0, $0xb8;
	[tilespmem:$0xA000] =	vst v63  }
0x5a: {  	s9 =	rddreg [dreg:$0x5]  }
0x5b: {  	[tilespmem:s9], [sflag:$0x4] =	stream.indirect_vreg.gather [hbm4b:s2+s3], $0x80, v3, vm0, $0xb8;
	[tilespmem:$0xA000] =	vst v63  }
0x5c: {  	v3 =	vld.msk [tilespmem:s7+$0x1448], $0xff;
	_ =	sdelay $0x4  }
0x5d: {  	v60 =	vshll.u32 v3, $0x1  }
0x5e: {  	v3 =	vand.u32 $0x7, v3;
	v4 =	vand.u32 $0xFFFFFFF0, v60  }
0x5f: {  	v3 =	vor.u32 v3, v4  }
0x60: {  	v3 =	vperm.xlane v3, v0;
	_ =	sdelay $0x1  }
0x61: {  	v3 =	vadd.s32 v1, v3;
	_ =	sdelay $0x4  }
0x62: {  	[tilespmem:s23], [sflag:$0x4] =	stream.indirect_vreg.gather [hbm4b:s2+s3], $0x80, v3, vm0, $0xb8;
	[tilespmem:$0xA000] =	vst v63  }
0x63: {  	_ =	swait.ge [sflag:s24], $0x1400  }
0x64: {  	[sflag:s24] =	ssyncset.done $0x0  }
0x65: {  	[sflag:s24] =	ssyncadd.s32 $0xFFFFEC00  }
0x66: {  	[hbm4b:s11+s3] =	stream.linear.scatter [tilespmem:s15], [sflag:$0x5], $0x1400, $0x38;
	[tilespmem:$0xA000] =	vst v63  }
0x67: {  	_ =	swait.ge [sflag:s25], $0x2800  }
0x68: {  	[sflag:s25] =	ssyncset.done $0x0  }
0x69: {  	[sflag:s25] =	ssyncadd.s32 $0xFFFFD800  }
0x6a: {  	[hbm4b:s10+s3] =	stream.linear.scatter [tilespmem:s16], [sflag:$0x7], $0x2800, $0x38;
	[tilespmem:$0xA000] =	vst v63  }
0x6b: {  	_ =	swait.ge [sflag:s26], $0x1400  }
0x6c: {  	[sflag:s26] =	ssyncset.done $0x0  }
0x6d: {  	[sflag:s26] =	ssyncadd.s32 $0xFFFFEC00  }
0x6e: {  	_ =	swait.ge [sflag:s28], $0x2800  }
0x6f: {  	[sflag:s28] =	ssyncset.done $0x0  }
0x70: {  	s9 =	sadd.s32 $0x50, s7;
	[sflag:s28] =	ssyncadd.s32 $0xFFFFD800  }
0x71: {  	[tilespmem:s15], [sflag:$0x1] =	stream.indirect.gather [hbm4b:s4+s14], $0x80, s9, s14, $0xb8;
	[tilespmem:$0xA000] =	vst v63  }
0x72: {  	v3 =	vld [tilespmem:s7+$0x1450];
	_ =	sdelay $0x4  }
0x73: {  	v61 =	vshll.u32 v3, $0x1  }
0x74: {  	v3 =	vand.u32 $0x7, v3;
	v4 =	vand.u32 $0xFFFFFFF0, v61  }
0x75: {  	v3 =	vor.u32 v3, v4  }
0x76: {  	v4 =	vperm.xlane v3, v0;
	_ =	sdelay $0x1  }
0x77: {  	v3 =	vperm.xlane v3, v2;
	v4 =	vadd.s32 v1, v4;
	_ =	sdelay $0x1  }
0x78: {  	v3 =	vadd.s32 v1, v3;
	_ =	sdelay $0x2  }
0x79: {  	[tilespmem:s16], [sflag:$0x3] =	stream.indirect_vreg.gather [hbm4b:s2+s3], $0x80, v4, vm0, $0xb8;
	[tilespmem:$0xA000] =	vst v63  }
0x7a: {  	_ = 	snop  }
0x7b: {  	[tilespmem:s17], [sflag:$0x3] =	stream.indirect_vreg.gather [hbm4b:s2+s3], $0x80, v3, vm0, $0xb8;
	[tilespmem:$0xA000] =	vst v63  }
0x7c: {  	v3 =	vld [tilespmem:s7+$0x1460];
	_ =	sdelay $0x4  }
0x7d: {  	v62 =	vshll.u32 v3, $0x1  }
0x7e: {  	v3 =	vand.u32 $0x7, v3;
	v4 =	vand.u32 $0xFFFFFFF0, v62  }
0x7f: {  	v3 =	vor.u32 v3, v4  }
0x80: {  	v4 =	vperm.xlane v3, v0;
	_ =	sdelay $0x1  }
0x81: {  	v3 =	vperm.xlane v3, v2;
	v4 =	vadd.s32 v1, v4;
	_ =	sdelay $0x1  }
0x82: {  	v3 =	vadd.s32 v1, v3;
	_ =	sdelay $0x2  }
0x83: {  	[tilespmem:s18], [sflag:$0x3] =	stream.indirect_vreg.gather [hbm4b:s2+s3], $0x80, v4, vm0, $0xb8;
	[tilespmem:$0xA000] =	vst v63  }
0x84: {  	_ = 	snop  }
0x85: {  	[tilespmem:s19], [sflag:$0x3] =	stream.indirect_vreg.gather [hbm4b:s2+s3], $0x80, v3, vm0, $0xb8;
	[tilespmem:$0xA000] =	vst v63  }
0x86: {  	v3 =	vld.msk [tilespmem:s7+$0x1470], $0xff;
	_ =	sdelay $0x4  }
0x87: {  	v63 =	vshll.u32 v3, $0x1  }
0x88: {  	v3 =	vand.u32 $0x7, v3;
	v4 =	vand.u32 $0xFFFFFFF0, v63  }
0x89: {  	v3 =	vor.u32 v3, v4  }
0x8a: {  	v3 =	vperm.xlane v3, v0;
	_ =	sdelay $0x1  }
0x8b: {  	v3 =	vadd.s32 v1, v3;
	_ =	sdelay $0x4  }
0x8c: {  	[tilespmem:s20], [sflag:$0x3] =	stream.indirect_vreg.gather [hbm4b:s2+s3], $0x80, v3, vm0, $0xb8;
	[tilespmem:$0xA000] =	vst v63  }
0x8d: {  	_ =	swait.ge [sflag:s29], $0x1400  }
0x8e: {  	s6 =	sadd.s32 $0x140, s6;
	[sflag:s29] =	ssyncset.done $0x0  }
0x8f: {  	p0 =	sne.s32 s6, $0x4D80;
	s8 =	sadd.s32 $0x280, s11;
	[sflag:s29] =	ssyncadd.s32 $0xFFFFEC00  }
0x90: {  	[hbm4b:s8+s3] =	stream.linear.scatter [tilespmem:s21], [sflag:$0x6], $0x1400, $0x38;
	[tilespmem:$0xA000] =	vst v63  }
.Ltmp0:
0x91: {  	_ = 	snop;
	(pc) =	sbr.rel @p0 .LBB2_2-.Ltmp0, $4  }
0x92: {  	_ =	swait.ge [sflag:s30], $0x2800  }
0x93: {  	s11 =	sadd.s32 $0x500, s11;
	[sflag:s30] =	ssyncset.done $0x0  }
0x94: {  	s9 =	sadd.s32 $0x500, s10;
	s10 =	sadd.s32 $0xA00, s10;
	[sflag:s30] =	ssyncadd.s32 $0xFFFFD800  }
0x95: {  	[hbm4b:s9+s3] =	stream.linear.scatter [tilespmem:s22], [sflag:$0x8], $0x2800, $0x38;
	[tilespmem:$0xA000] =	vst v63  }
0x96: {  	_ =	swait.ge [sflag:s24], $0x1400  }
0x97: {  	[sflag:s24] =	ssyncset.done $0x0  }
0x98: {  	s6 =	rddreg [dreg:$0x8];
	[sflag:s24] =	ssyncadd.s32 $0xFFFFEC00  }
0x99: {  	[hbm4b:s6+s3] =	stream.linear.scatter [tilespmem:s15], [sflag:$0x5], $0x1400, $0x38;
	[tilespmem:$0xA000] =	vst v63  }
0x9a: {  	_ =	swait.ge [sflag:s25], $0x2800  }
0x9b: {  	[sflag:s25] =	ssyncset.done $0x0  }
0x9c: {  	s10 =	rddreg [dreg:$0x9];
	[sflag:s25] =	ssyncadd.s32 $0xFFFFD800  }
0x9d: {  	[hbm4b:s10+s3] =	stream.linear.scatter [tilespmem:s16], [sflag:$0x7], $0x2800, $0x38;
	[tilespmem:$0xA000] =	vst v63  }
0x9e: {  	_ =	swait.ge [sflag:s26], $0x1400  }
0x9f: {  	[sflag:s26] =	ssyncset.done $0x0  }
0xa0: {  	[sflag:s26] =	ssyncadd.s32 $0xFFFFEC00  }
0xa1: {  	_ =	swait.ge [sflag:s28], $0x2800  }
0xa2: {  	[sflag:s28] =	ssyncset.done $0x0  }
0xa3: {  	[sflag:s28] =	ssyncadd.s32 $0xFFFFD800  }
0xa4: {  	_ =	swait.ge [sflag:s31], $0x1400  }
0xa5: {  	[sflag:s31] =	ssyncset.done $0x0  }
0xa6: {  	[sflag:s31] =	ssyncadd.s32 $0xFFFFEC00  }
0xa7: {  	_ =	swait.ge [sflag:s1], $0x2800  }
0xa8: {  	s0 =	sadd.s32 $0x1, s0;
	s11 =	rddreg [dreg:$0xa]  }
0xa9: {  	p0 =	sne.s32 s0, s11  }
.Ltmp1:
0xaa: {  	_ = 	snop;
	(pc) =	sbr.rel @p0 .LBB2_1-.Ltmp1, $3  }
0xab: {  	_ =	sdelay $0x1  }
0xac: {  	[sflag:s1] =	ssyncset.done $0x0  }
0xad: {  	[sflag:s1] =	ssyncadd.s32 $0xFFFFD800  }
0xae: {  	_ =	sfence.sel $0x180000  }
0xaf: {  	[bflag:$0x0] =	sbarrier.arrive $0xFFFF  }
0xb0: {  	_ =	strace $0x90000047  }
0xb1: {  	s0 =	stileid.u32;
	[bflag:$0x2] =	sbarrier.arrive $0xFFFF  }
0xb2: {  	p0 =	sne.s32 s0, $0x0;
	s0 =	rddreg [dreg:$0x2]  }
0xb3: {  	s0 =	sadd.s32 @!p0 $0x100000, s0  }
0xb4: {  	[sflag:s0] =	ssyncadd.tile.s32 @!p0 $0x1;
	_ =	shalt  }
.Lfunc_end2:
_tile_overlayer_lowered:
.L_overlay_start_2:
0xb5: {  	(tag) =	ssettag $0x2  }
0xb6: {  	s0 =	rddreg [dreg:$0x0];
	s2 =	stileid.u32  }
0xb7: {  	s1 =	rddreg [dreg:$0x1];
	p0 =	sne.s32 s2, $0x0  }
0xb8: {  	s3 =	rddreg [dreg:$0x2];
	[bflag:$0x3] =	sbarrier.arrive $0xFFFF;
	s2 =	simm.s32 @!p0 $0x1C09  }
0xb9: {  	[timem:s3], [sflag:s2] =	dma.local @!p0 [hbm:s0], s1  }
0xba: {  	s0 =	simm.s32 @!p0 $0x9  }
0xbb: {  	_ =	swait.ge @!p0 [sflag:s0], s1  }
0xbc: {  	s1 =	ssub.s32 @!p0 $0x0, s1;
	[sflag:s0] =	ssyncset.done @!p0 $0x0  }
0xbd: {  	[sflag:s0] =	ssyncadd.s32 @!p0 s1  }
0xbe: {  	[bflag:$0x3] =	sbarrier.arrive $0xFFFF  }
0xbf: {  	_ =	shalt  }

</sc_bundles>
